<compile_context>
chip_gen: v7x
topology: tpu7x:2x2x1
jax: 0.10.2.dev20260603
libtpu: 0.0.44.dev20260713+nightly
codegen_flags: <defaults>
</compile_context>

<pallas_src>
import functools

import jax
import jax.numpy as jnp
from jax import lax
from jax.experimental import pallas as pl
from jax.experimental.pallas import tpu as pltpu
from jax.experimental.pallas import tpu_sc as plsc

N = 10000
E = 320000
D = 128
H = 64

NC = 2
NS = 16
NW = NC * NS
CHUNK = 1024
NCHUNK = 10
EP = NW * NCHUNK * CHUNK
NP = 10112
RT = NP // NS
DW = 8

_F32 = jnp.float32



def _tc_pre_body(x_ref, wl_ref, wr_ref, bl_ref, p_ref, q_ref):
    xv = x_ref[...]
    p_ref[...] = jnp.dot(xv, wl_ref[...], preferred_element_type=_F32)
    q_ref[...] = jnp.dot(xv, wr_ref[...], preferred_element_type=_F32) + bl_ref[...]


def _tc_pre(x_pad, Wl, Wr, bl):
    return pl.pallas_call(
        _tc_pre_body,
        out_shape=[
            jax.ShapeDtypeStruct((NP, H), _F32),
            jax.ShapeDtypeStruct((NP, H), _F32),
        ],
    )(x_pad, Wl, Wr, bl)


def _bn_relu(agg_ref, degp_ref, q_ref, g_ref, b_ref):
    agg = agg_ref[0] + agg_ref[1]
    deg = jnp.maximum(degp_ref[0, :, 0:1] + degp_ref[1, :, 0:1], 1.0)
    h = agg / deg + q_ref[...]
    hv = h[:N]
    mu = jnp.mean(hv, axis=0, keepdims=True)
    var = jnp.mean(jnp.square(hv - mu), axis=0, keepdims=True)
    h = (h - mu) * (g_ref[...] * lax.rsqrt(var + 1e-5)) + b_ref[...]
    return jnp.maximum(h, 0.0)


def _tc_mid_body(agg_ref, degp_ref, q_ref, g_ref, b_ref, wl_ref, wr_ref,
                 bln_ref, p_ref, qn_ref):
    h = _bn_relu(agg_ref, degp_ref, q_ref, g_ref, b_ref)
    p_ref[...] = jnp.dot(h, wl_ref[...], preferred_element_type=_F32)
    qn_ref[...] = jnp.dot(h, wr_ref[...], preferred_element_type=_F32) + bln_ref[...]


def _tc_mid(agg, degp, q, g, b, Wl, Wr, bln):
    return pl.pallas_call(
        _tc_mid_body,
        out_shape=[
            jax.ShapeDtypeStruct((NP, H), _F32),
            jax.ShapeDtypeStruct((NP, H), _F32),
        ],
    )(agg, degp, q, g, b, Wl, Wr, bln)


def _tc_fin_body(agg_ref, degp_ref, q_ref, g_ref, b_ref, wh1_ref, bh1_ref,
                 wh2_ref, bh2_ref, o_ref):
    h = _bn_relu(agg_ref, degp_ref, q_ref, g_ref, b_ref)
    t = jnp.maximum(
        jnp.dot(h, wh1_ref[...], preferred_element_type=_F32) + bh1_ref[...], 0.0)
    o_ref[...] = jnp.dot(t, wh2_ref[...], preferred_element_type=_F32) + bh2_ref[...]


def _tc_fin(agg, degp, q, g, b, Wh1, bh1, Wh2p, bh2p):
    return pl.pallas_call(
        _tc_fin_body,
        out_shape=jax.ShapeDtypeStruct((NP, 8), _F32),
    )(agg, degp, q, g, b, Wh1, bh1, Wh2p, bh2p)



@functools.cache
def _sc_mesh():
    return plsc.VectorSubcoreMesh(
        core_axis_name="c", subcore_axis_name="s", num_cores=NC, num_subcores=NS)


def _seg_body_common(p_hbm, srcp, dstp, z_hbm, out_hbm, idx_s, idx_d, rows,
                     acc, sem, wid, s, c, deg_refs):
    pltpu.sync_copy(z_hbm.at[pl.ds(s * RT, RT)], rows.at[pl.ds(0, RT)])
    pltpu.sync_copy(rows.at[pl.ds(0, RT)], acc.at[pl.ds(s * RT, RT)])
    if deg_refs is not None:
        z16_hbm, ones_hbm, deg_hbm, ones_v, z16_v, dacc = deg_refs
        pltpu.sync_copy(z16_hbm.at[pl.ds(s * RT, RT)], z16_v)
        pltpu.sync_copy(z16_v, dacc.at[pl.ds(s * RT, RT)])
        pltpu.sync_copy(ones_hbm, ones_v)
    plsc.subcore_barrier()

    def chunk(k, carry):
        eb = (wid * NCHUNK + k) * CHUNK
        pltpu.sync_copy(srcp.at[pl.ds(eb, CHUNK)], idx_s)
        pltpu.sync_copy(dstp.at[pl.ds(eb, CHUNK)], idx_d)
        pltpu.async_copy(p_hbm.at[idx_s], rows, sem).wait()
        pltpu.sync_copy(rows, acc.at[idx_d], add=True)
        if deg_refs is not None:
            pltpu.sync_copy(ones_v, dacc.at[idx_d], add=True)
        return carry

    lax.fori_loop(0, NCHUNK, chunk, 0)
    plsc.subcore_barrier()

    pltpu.sync_copy(acc.at[pl.ds(s * RT, RT)], rows.at[pl.ds(0, RT)])
    pltpu.sync_copy(rows.at[pl.ds(0, RT)], out_hbm.at[c, pl.ds(s * RT, RT)])
    if deg_refs is not None:
        pltpu.sync_copy(dacc.at[pl.ds(s * RT, RT)], z16_v)
        pltpu.sync_copy(z16_v, deg_hbm.at[c, pl.ds(s * RT, RT)])


def _seg_body_deg(p_hbm, srcp, dstp, z_hbm, z16_hbm, ones_hbm,
                  out_hbm, deg_hbm, idx_s, idx_d, rows, ones_v, z16_v,
                  acc, dacc, sem):
    c = lax.axis_index("c")
    s = lax.axis_index("s")
    wid = s * NC + c
    _seg_body_common(p_hbm, srcp, dstp, z_hbm, out_hbm, idx_s, idx_d, rows,
                     acc, sem, wid, s, c,
                     (z16_hbm, ones_hbm, deg_hbm, ones_v, z16_v, dacc))


def _seg_body(p_hbm, srcp, dstp, z_hbm, out_hbm, idx_s, idx_d, rows, acc, sem):
    c = lax.axis_index("c")
    s = lax.axis_index("s")
    wid = s * NC + c
    _seg_body_common(p_hbm, srcp, dstp, z_hbm, out_hbm, idx_s, idx_d, rows,
                     acc, sem, wid, s, c, None)


def _sc_segsum_deg(p, srcp, dstp, z, z16, ones):
    return pl.kernel(
        _seg_body_deg,
        out_type=[
            jax.ShapeDtypeStruct((NC, NP, H), _F32),
            jax.ShapeDtypeStruct((NC, NP, DW), _F32),
        ],
        mesh=_sc_mesh(),
        compiler_params=pltpu.CompilerParams(use_tc_tiling_on_sc=False),
        scratch_types=[
            pltpu.VMEM((CHUNK,), jnp.int32),
            pltpu.VMEM((CHUNK,), jnp.int32),
            pltpu.VMEM((CHUNK, H), _F32),
            pltpu.VMEM((CHUNK, DW), _F32),
            pltpu.VMEM((RT, DW), _F32),
            pltpu.VMEM_SHARED((NP, H), _F32),
            pltpu.VMEM_SHARED((NP, DW), _F32),
            pltpu.SemaphoreType.DMA,
        ],
    )(p, srcp, dstp, z, z16, ones)


def _sc_segsum(p, srcp, dstp, z):
    return pl.kernel(
        _seg_body,
        out_type=jax.ShapeDtypeStruct((NC, NP, H), _F32),
        mesh=_sc_mesh(),
        compiler_params=pltpu.CompilerParams(use_tc_tiling_on_sc=False),
        scratch_types=[
            pltpu.VMEM((CHUNK,), jnp.int32),
            pltpu.VMEM((CHUNK,), jnp.int32),
            pltpu.VMEM((CHUNK, H), _F32),
            pltpu.VMEM_SHARED((NP, H), _F32),
            pltpu.SemaphoreType.DMA,
        ],
    )(p, srcp, dstp, z)



def kernel(x, edge_index, Wl0, bl0, Wr0, gamma0, beta0, Wl1, bl1, Wr1,
           gamma1, beta1, Wl2, bl2, Wr2, gamma2, beta2, Wh1, bh1, Wh2, bh2):
    src = edge_index[0]
    dst = edge_index[1]
    pad = jnp.full((EP - E,), N, dtype=jnp.int32)
    srcp = jnp.concatenate([src, pad])
    dstp = jnp.concatenate([dst, pad])
    x_pad = jnp.pad(x, ((0, NP - N), (0, 0)))
    z = jnp.zeros((NP, H), _F32)
    z16 = jnp.zeros((NP, DW), _F32)
    ones = jnp.ones((CHUNK, DW), _F32)
    bl0r = bl0.reshape(1, H)
    bl1r = bl1.reshape(1, H)
    bl2r = bl2.reshape(1, H)
    g0 = gamma0.reshape(1, H); b0 = beta0.reshape(1, H)
    g1 = gamma1.reshape(1, H); b1 = beta1.reshape(1, H)
    g2 = gamma2.reshape(1, H); b2 = beta2.reshape(1, H)
    bh1r = bh1.reshape(1, 32)
    Wh2p = jnp.pad(Wh2, ((0, 0), (0, 7)))
    bh2p = jnp.pad(bh2, ((0, 7),)).reshape(1, 8)

    p0, q0 = _tc_pre(x_pad, Wl0, Wr0, bl0r)
    agg0, degp = _sc_segsum_deg(p0, srcp, dstp, z, z16, ones)
    p1, q1 = _tc_mid(agg0, degp, q0, g0, b0, Wl1, Wr1, bl1r)
    agg1 = _sc_segsum(p1, srcp, dstp, z)
    p2, q2 = _tc_mid(agg1, degp, q1, g1, b1, Wl2, Wr2, bl2r)
    agg2 = _sc_segsum(p2, srcp, dstp, z)
    o = _tc_fin(agg2, degp, q2, g2, b2, Wh1, bh1r, Wh2p, bh2p)
    return o[:N, 0]

# --- scband reference (transcript-rebuilt; emitter-appended) ---
"""Pipeline reference for scband-file-ranker-61804579390128 (READ-ONLY COPY).

The authoritative reference and input builder live on the scoring server;
editing this copy changes nothing except your own understanding.
"""

import jax, jax.numpy as jnp
import numpy as np

N = 10000
E = 320000
D = 128
H = 64

def setup_inputs(seed: int = 0):
    key = jax.random.key(seed)
    ks = jax.random.split(key, 24)
    inp = {}
    inp["x"] = jax.random.normal(ks[0], (N, D), dtype=jnp.float32)
    inp["edge_index"] = jax.random.randint(ks[1], (2, E), 0, N, dtype=jnp.int32)
    dims = [(D, H), (H, H), (H, H)]
    j = 2
    for i, (fi, fo) in enumerate(dims):
        s = 1.0 / np.sqrt(fi)
        inp[f"Wl{i}"] = jax.random.normal(ks[j], (fi, fo), dtype=jnp.float32) * s; j += 1
        inp[f"bl{i}"] = jnp.zeros((fo,), dtype=jnp.float32)
        inp[f"Wr{i}"] = jax.random.normal(ks[j], (fi, fo), dtype=jnp.float32) * s; j += 1
        inp[f"gamma{i}"] = jnp.ones((fo,), dtype=jnp.float32)
        inp[f"beta{i}"] = jnp.zeros((fo,), dtype=jnp.float32)
    inp["Wh1"] = jax.random.normal(ks[j], (H, 32), dtype=jnp.float32) * (1.0 / np.sqrt(H)); j += 1
    inp["bh1"] = jnp.zeros((32,), dtype=jnp.float32)
    inp["Wh2"] = jax.random.normal(ks[j], (32, 1), dtype=jnp.float32) * (1.0 / np.sqrt(32)); j += 1
    inp["bh2"] = jnp.zeros((1,), dtype=jnp.float32)
    return inp

def reference(x, edge_index, Wl0, bl0, Wr0, gamma0, beta0, Wl1, bl1, Wr1, gamma1, beta1, Wl2, bl2, Wr2, gamma2, beta2, Wh1, bh1, Wh2, bh2):
    params = [
        (Wl0, bl0, Wr0, gamma0, beta0),
        (Wl1, bl1, Wr1, gamma1, beta1),
        (Wl2, bl2, Wr2, gamma2, beta2),
    ]
    src = edge_index[0]
    dst = edge_index[1]
    deg = jnp.zeros((N,), dtype=jnp.float32).at[dst].add(1.0)
    deg = jnp.maximum(deg, 1.0)
    h = x
    for i in range(3):
        Wl, bl, Wr, g, b = params[i]
        msg = h[src]
        agg = jax.ops.segment_sum(msg, dst, num_segments=N) / deg[:, None]
        h = agg @ Wl + bl + h @ Wr
        mu = jnp.mean(h, axis=0)
        var = jnp.var(h, axis=0)
        h = (h - mu) / jnp.sqrt(var + 1e-5) * g + b
        h = jax.nn.relu(h)
    out = jax.nn.relu(h @ Wh1 + bh1) @ Wh2 + bh2
    return out.squeeze(-1)

if __name__ == "__main__":
    import jax
    _d = setup_inputs()
    print(jax.jit(kernel)(*tuple(_d.values())))

</pallas_src>

<mosaic_0001>
#map = affine_map<(d0, d1) -> (0, 0)>
#map1 = affine_map<(d0, d1) -> (0)>
#map2 = affine_map<(d0, d1) -> (0, 0, 0)>
module attributes {stable_mosaic.version = 14 : i64} {
  func.func @_seg_body(%arg0: i32, %arg1: i32, %arg2: memref<10112x64xf32, #tpu.memory_space<hbm>>, %arg3: memref<327680xi32, #tpu.memory_space<hbm>>, %arg4: memref<327680xi32, #tpu.memory_space<hbm>>, %arg5: memref<10112x64xf32, #tpu.memory_space<hbm>>, %arg6: memref<2x10112x64xf32, #tpu.memory_space<hbm>>, %arg7: memref<1024xi32, #tpu.memory_space<vmem>>, %arg8: memref<1024xi32, #tpu.memory_space<vmem>>, %arg9: memref<1024x64xf32, #tpu.memory_space<vmem>>, %arg10: memref<10112x64xf32, #tpu.memory_space<vmem_shared>>, %arg11: memref<!tpu.dma_semaphore, #tpu.memory_space<semaphore_mem>>) attributes {dimension_semantics = [#tpu.dimension_semantics<core_parallel>, #tpu.dimension_semantics<subcore_parallel>], iteration_bounds = array<i64: 2, 16>, scalar_prefetch = 0 : i64, scratch_operands = 5 : i64, tpu.core_type = #tpu.core_type<sc_vector_subcore>, window_params = [{transform_indices = #map}, {transform_indices = #map1}, {transform_indices = #map1}, {transform_indices = #map}, {transform_indices = #map2}]} {
    %mul3A = arith.constant 2 : i32
    %mul3A_0 = arith.muli %arg1, %mul3A : i32
    %add3A = arith.addi %mul3A_0, %arg0 : i32
    %mul3A_1 = arith.constant 632 : i32
    %mul3A_2 = arith.muli %arg1, %mul3A_1 : i32
    "tpu.region"() ({
      %run_scoped3A = tpu.sem_alloc : memref<!tpu.dma_semaphore, #tpu.memory_space<semaphore_mem>>
      %dma_start3A = arith.constant 0 : i32
      %dma_start3A_15 = arith.constant 0 : i32
      %dma_start3A_16 = tpu.memref_slice %arg9[%dma_start3A, %dma_start3A_15] : memref<1024x64xf32, #tpu.memory_space<vmem>> -> memref<632x64xf32, #tpu.memory_space<vmem>>
      %dma_start3A_17 = arith.constant 0 : i32
      %dma_start3A_18 = tpu.memref_slice %arg5[%mul3A_2, %dma_start3A_17] : memref<10112x64xf32, #tpu.memory_space<hbm>> -> memref<632x64xf32, #tpu.memory_space<hbm>>
      %dma_start3A_19 = arith.constant 0 : i32
      %dma_start3A_20 = arith.constant 0 : i32
      %dma_start3A_21 = tpu.memref_slice %arg9[%dma_start3A_19, %dma_start3A_20] : memref<1024x64xf32, #tpu.memory_space<vmem>> -> memref<632x64xf32, #tpu.memory_space<vmem>>
      %dma_start3A_22 = arith.constant 0 : i32
      %dma_start3A_23 = tpu.memref_slice %arg5[%mul3A_2, %dma_start3A_22] : memref<10112x64xf32, #tpu.memory_space<hbm>> -> memref<632x64xf32, #tpu.memory_space<hbm>>
      tpu.enqueue_dma source(%dma_start3A_23 : memref<632x64xf32, #tpu.memory_space<hbm>>) target(%dma_start3A_21 : memref<632x64xf32, #tpu.memory_space<vmem>>) target_semaphore(%run_scoped3A : memref<!tpu.dma_semaphore, #tpu.memory_space<semaphore_mem>>)
      %dma_wait3A = arith.constant 0 : i32
      %dma_wait3A_24 = arith.constant 0 : i32
      %dma_wait3A_25 = tpu.memref_slice %arg9[%dma_wait3A, %dma_wait3A_24] : memref<1024x64xf32, #tpu.memory_space<vmem>> -> memref<632x64xf32, #tpu.memory_space<vmem>>
      %dma_wait3A_26 = arith.constant 0 : i32
      %dma_wait3A_27 = tpu.memref_slice %arg5[%mul3A_2, %dma_wait3A_26] : memref<10112x64xf32, #tpu.memory_space<hbm>> -> memref<632x64xf32, #tpu.memory_space<hbm>>
      %dma_wait3A_28 = arith.constant 0 : i32
      %dma_wait3A_29 = arith.constant 0 : i32
      %dma_wait3A_30 = tpu.memref_slice %arg9[%dma_wait3A_28, %dma_wait3A_29] : memref<1024x64xf32, #tpu.memory_space<vmem>> -> memref<632x64xf32, #tpu.memory_space<vmem>>
      %dma_wait3A_31 = arith.constant 0 : i32
      %dma_wait3A_32 = tpu.memref_slice %arg5[%mul3A_2, %dma_wait3A_31] : memref<10112x64xf32, #tpu.memory_space<hbm>> -> memref<632x64xf32, #tpu.memory_space<hbm>>
      tpu.wait_dma2 semaphore(%run_scoped3A : memref<!tpu.dma_semaphore, #tpu.memory_space<semaphore_mem>>) src(%dma_wait3A_32 : memref<632x64xf32, #tpu.memory_space<hbm>>) dst(%dma_wait3A_30 : memref<632x64xf32, #tpu.memory_space<vmem>>)
      tpu.yield
    }) : () -> ()
    %mul3A_3 = arith.constant 632 : i32
    %mul3A_4 = arith.muli %arg1, %mul3A_3 : i32
    "tpu.region"() ({
      %run_scoped3A = tpu.sem_alloc : memref<!tpu.dma_semaphore, #tpu.memory_space<semaphore_mem>>
      %dma_start3A = arith.constant 0 : i32
      %dma_start3A_15 = arith.constant 0 : i32
      %dma_start3A_16 = tpu.memref_slice %arg9[%dma_start3A, %dma_start3A_15] : memref<1024x64xf32, #tpu.memory_space<vmem>> -> memref<632x64xf32, #tpu.memory_space<vmem>>
      %dma_start3A_17 = arith.constant 0 : i32
      %dma_start3A_18 = tpu.memref_slice %arg10[%mul3A_4, %dma_start3A_17] : memref<10112x64xf32, #tpu.memory_space<vmem_shared>> -> memref<632x64xf32, #tpu.memory_space<vmem_shared>>
      %dma_start3A_19 = arith.constant 0 : i32
      %dma_start3A_20 = tpu.memref_slice %arg10[%mul3A_4, %dma_start3A_19] : memref<10112x64xf32, #tpu.memory_space<vmem_shared>> -> memref<632x64xf32, #tpu.memory_space<vmem_shared>>
      %dma_start3A_21 = arith.constant 0 : i32
      %dma_start3A_22 = arith.constant 0 : i32
      %dma_start3A_23 = tpu.memref_slice %arg9[%dma_start3A_21, %dma_start3A_22] : memref<1024x64xf32, #tpu.memory_space<vmem>> -> memref<632x64xf32, #tpu.memory_space<vmem>>
      tpu.enqueue_dma source(%dma_start3A_23 : memref<632x64xf32, #tpu.memory_space<vmem>>) target(%dma_start3A_20 : memref<632x64xf32, #tpu.memory_space<vmem_shared>>) target_semaphore(%run_scoped3A : memref<!tpu.dma_semaphore, #tpu.memory_space<semaphore_mem>>)
      %dma_wait3A = arith.constant 0 : i32
      %dma_wait3A_24 = arith.constant 0 : i32
      %dma_wait3A_25 = tpu.memref_slice %arg9[%dma_wait3A, %dma_wait3A_24] : memref<1024x64xf32, #tpu.memory_space<vmem>> -> memref<632x64xf32, #tpu.memory_space<vmem>>
      %dma_wait3A_26 = arith.constant 0 : i32
      %dma_wait3A_27 = tpu.memref_slice %arg10[%mul3A_4, %dma_wait3A_26] : memref<10112x64xf32, #tpu.memory_space<vmem_shared>> -> memref<632x64xf32, #tpu.memory_space<vmem_shared>>
      %dma_wait3A_28 = arith.constant 0 : i32
      %dma_wait3A_29 = tpu.memref_slice %arg10[%mul3A_4, %dma_wait3A_28] : memref<10112x64xf32, #tpu.memory_space<vmem_shared>> -> memref<632x64xf32, #tpu.memory_space<vmem_shared>>
      %dma_wait3A_30 = arith.constant 0 : i32
      %dma_wait3A_31 = arith.constant 0 : i32
      %dma_wait3A_32 = tpu.memref_slice %arg9[%dma_wait3A_30, %dma_wait3A_31] : memref<1024x64xf32, #tpu.memory_space<vmem>> -> memref<632x64xf32, #tpu.memory_space<vmem>>
      tpu.wait_dma2 semaphore(%run_scoped3A : memref<!tpu.dma_semaphore, #tpu.memory_space<semaphore_mem>>) src(%dma_wait3A_32 : memref<632x64xf32, #tpu.memory_space<vmem>>) dst(%dma_wait3A_29 : memref<632x64xf32, #tpu.memory_space<vmem_shared>>)
      tpu.yield
    }) : () -> ()
    %barrier3A = arith.constant 0 : index
    tpu.barrier barrier_id(%barrier3A)
    %scan3A = arith.constant 0 : i32
    %scan3A_5 = arith.constant 0 : i32
    %scan3A_6 = arith.constant 10 : i32
    %scan3A_7 = arith.addi %scan3A_5, %scan3A_6 : i32
    %scan3A_8 = arith.constant 1 : i32
    scf.for %scan3A_15 = %scan3A_5 to %scan3A_7 step %scan3A_8  : i32 {
      %mul3A_16 = arith.constant 10 : i32
      %mul3A_17 = arith.muli %add3A, %mul3A_16 : i32
      %add3A_18 = arith.addi %mul3A_17, %scan3A_15 : i32
      %mul3A_19 = arith.constant 1024 : i32
      %mul3A_20 = arith.muli %add3A_18, %mul3A_19 : i32
      "tpu.region"() ({
        %run_scoped3A = tpu.sem_alloc : memref<!tpu.dma_semaphore, #tpu.memory_space<semaphore_mem>>
        %dma_start3A_25 = tpu.memref_slice %arg3[%mul3A_20] : memref<327680xi32, #tpu.memory_space<hbm>> -> memref<1024xi32, #tpu.memory_space<hbm>>
        %dma_start3A_26 = tpu.memref_slice %arg3[%mul3A_20] : memref<327680xi32, #tpu.memory_space<hbm>> -> memref<1024xi32, #tpu.memory_space<hbm>>
        tpu.enqueue_dma source(%dma_start3A_26 : memref<1024xi32, #tpu.memory_space<hbm>>) target(%arg7 : memref<1024xi32, #tpu.memory_space<vmem>>) target_semaphore(%run_scoped3A : memref<!tpu.dma_semaphore, #tpu.memory_space<semaphore_mem>>)
        %dma_wait3A_27 = tpu.memref_slice %arg3[%mul3A_20] : memref<327680xi32, #tpu.memory_space<hbm>> -> memref<1024xi32, #tpu.memory_space<hbm>>
        %dma_wait3A_28 = tpu.memref_slice %arg3[%mul3A_20] : memref<327680xi32, #tpu.memory_space<hbm>> -> memref<1024xi32, #tpu.memory_space<hbm>>
        tpu.wait_dma2 semaphore(%run_scoped3A : memref<!tpu.dma_semaphore, #tpu.memory_space<semaphore_mem>>) src(%dma_wait3A_28 : memref<1024xi32, #tpu.memory_space<hbm>>) dst(%arg7 : memref<1024xi32, #tpu.memory_space<vmem>>)
        tpu.yield
      }) : () -> ()
      "tpu.region"() ({
        %run_scoped3A = tpu.sem_alloc : memref<!tpu.dma_semaphore, #tpu.memory_space<semaphore_mem>>
        %dma_start3A_25 = tpu.memref_slice %arg4[%mul3A_20] : memref<327680xi32, #tpu.memory_space<hbm>> -> memref<1024xi32, #tpu.memory_space<hbm>>
        %dma_start3A_26 = tpu.memref_slice %arg4[%mul3A_20] : memref<327680xi32, #tpu.memory_space<hbm>> -> memref<1024xi32, #tpu.memory_space<hbm>>
        tpu.enqueue_dma source(%dma_start3A_26 : memref<1024xi32, #tpu.memory_space<hbm>>) target(%arg8 : memref<1024xi32, #tpu.memory_space<vmem>>) target_semaphore(%run_scoped3A : memref<!tpu.dma_semaphore, #tpu.memory_space<semaphore_mem>>)
        %dma_wait3A_27 = tpu.memref_slice %arg4[%mul3A_20] : memref<327680xi32, #tpu.memory_space<hbm>> -> memref<1024xi32, #tpu.memory_space<hbm>>
        %dma_wait3A_28 = tpu.memref_slice %arg4[%mul3A_20] : memref<327680xi32, #tpu.memory_space<hbm>> -> memref<1024xi32, #tpu.memory_space<hbm>>
        tpu.wait_dma2 semaphore(%run_scoped3A : memref<!tpu.dma_semaphore, #tpu.memory_space<semaphore_mem>>) src(%dma_wait3A_28 : memref<1024xi32, #tpu.memory_space<hbm>>) dst(%arg8 : memref<1024xi32, #tpu.memory_space<vmem>>)
        tpu.yield
      }) : () -> ()
      %dma_start3A = arith.constant 0 : i32
      %dma_start3A_21 = arith.constant 0 : i32
      %dma_start3A_22 = tpu.memref_slice %arg2[%dma_start3A, %dma_start3A_21] : memref<10112x64xf32, #tpu.memory_space<hbm>> -> memref<10112x64xf32, #tpu.memory_space<hbm>>
      tpu.enqueue_indirect_dma source(%dma_start3A_22 : memref<10112x64xf32, #tpu.memory_space<hbm>>) target(%arg9 : memref<1024x64xf32, #tpu.memory_space<vmem>>) offsets(%arg7 : memref<1024xi32, #tpu.memory_space<vmem>>) semaphore(%arg11 : memref<!tpu.dma_semaphore, #tpu.memory_space<semaphore_mem>>)
      %dma_wait3A = arith.constant 0 : i32
      %dma_wait3A_23 = arith.constant 0 : i32
      %dma_wait3A_24 = tpu.memref_slice %arg2[%dma_wait3A, %dma_wait3A_23] : memref<10112x64xf32, #tpu.memory_space<hbm>> -> memref<10112x64xf32, #tpu.memory_space<hbm>>
      tpu.wait_indirect_dma semaphore(%arg11 : memref<!tpu.dma_semaphore, #tpu.memory_space<semaphore_mem>>) src(%dma_wait3A_24 : memref<10112x64xf32, #tpu.memory_space<hbm>>) dst(%arg9 : memref<1024x64xf32, #tpu.memory_space<vmem>>)
      "tpu.region"() ({
        %run_scoped3A = tpu.sem_alloc : memref<!tpu.dma_semaphore, #tpu.memory_space<semaphore_mem>>
        %dma_start3A_25 = arith.constant 0 : i32
        %dma_start3A_26 = arith.constant 0 : i32
        %dma_start3A_27 = tpu.memref_slice %arg10[%dma_start3A_25, %dma_start3A_26] : memref<10112x64xf32, #tpu.memory_space<vmem_shared>> -> memref<10112x64xf32, #tpu.memory_space<vmem_shared>>
        tpu.enqueue_indirect_dma source(%arg9 : memref<1024x64xf32, #tpu.memory_space<vmem>>) target(%dma_start3A_27 : memref<10112x64xf32, #tpu.memory_space<vmem_shared>>) offsets(%arg8 : memref<1024xi32, #tpu.memory_space<vmem>>) semaphore(%run_scoped3A : memref<!tpu.dma_semaphore, #tpu.memory_space<semaphore_mem>>) {add = true}
        %dma_wait3A_28 = arith.constant 0 : i32
        %dma_wait3A_29 = arith.constant 0 : i32
        %dma_wait3A_30 = tpu.memref_slice %arg10[%dma_wait3A_28, %dma_wait3A_29] : memref<10112x64xf32, #tpu.memory_space<vmem_shared>> -> memref<10112x64xf32, #tpu.memory_space<vmem_shared>>
        tpu.wait_indirect_dma semaphore(%run_scoped3A : memref<!tpu.dma_semaphore, #tpu.memory_space<semaphore_mem>>) src(%arg9 : memref<1024x64xf32, #tpu.memory_space<vmem>>) dst(%dma_wait3A_30 : memref<10112x64xf32, #tpu.memory_space<vmem_shared>>)
        tpu.yield
      }) : () -> ()
    }
    %scan3A_9 = arith.constant 10 : i32
    %barrier3A_10 = arith.constant 0 : index
    tpu.barrier barrier_id(%barrier3A_10)
    %mul3A_11 = arith.constant 632 : i32
    %mul3A_12 = arith.muli %arg1, %mul3A_11 : i32
    "tpu.region"() ({
      %run_scoped3A = tpu.sem_alloc : memref<!tpu.dma_semaphore, #tpu.memory_space<semaphore_mem>>
      %dma_start3A = arith.constant 0 : i32
      %dma_start3A_15 = arith.constant 0 : i32
      %dma_start3A_16 = tpu.memref_slice %arg9[%dma_start3A, %dma_start3A_15] : memref<1024x64xf32, #tpu.memory_space<vmem>> -> memref<632x64xf32, #tpu.memory_space<vmem>>
      %dma_start3A_17 = arith.constant 0 : i32
      %dma_start3A_18 = tpu.memref_slice %arg10[%mul3A_12, %dma_start3A_17] : memref<10112x64xf32, #tpu.memory_space<vmem_shared>> -> memref<632x64xf32, #tpu.memory_space<vmem_shared>>
      %dma_start3A_19 = arith.constant 0 : i32
      %dma_start3A_20 = arith.constant 0 : i32
      %dma_start3A_21 = tpu.memref_slice %arg9[%dma_start3A_19, %dma_start3A_20] : memref<1024x64xf32, #tpu.memory_space<vmem>> -> memref<632x64xf32, #tpu.memory_space<vmem>>
      %dma_start3A_22 = arith.constant 0 : i32
      %dma_start3A_23 = tpu.memref_slice %arg10[%mul3A_12, %dma_start3A_22] : memref<10112x64xf32, #tpu.memory_space<vmem_shared>> -> memref<632x64xf32, #tpu.memory_space<vmem_shared>>
      tpu.enqueue_dma source(%dma_start3A_23 : memref<632x64xf32, #tpu.memory_space<vmem_shared>>) target(%dma_start3A_21 : memref<632x64xf32, #tpu.memory_space<vmem>>) target_semaphore(%run_scoped3A : memref<!tpu.dma_semaphore, #tpu.memory_space<semaphore_mem>>)
      %dma_wait3A = arith.constant 0 : i32
      %dma_wait3A_24 = arith.constant 0 : i32
      %dma_wait3A_25 = tpu.memref_slice %arg9[%dma_wait3A, %dma_wait3A_24] : memref<1024x64xf32, #tpu.memory_space<vmem>> -> memref<632x64xf32, #tpu.memory_space<vmem>>
      %dma_wait3A_26 = arith.constant 0 : i32
      %dma_wait3A_27 = tpu.memref_slice %arg10[%mul3A_12, %dma_wait3A_26] : memref<10112x64xf32, #tpu.memory_space<vmem_shared>> -> memref<632x64xf32, #tpu.memory_space<vmem_shared>>
      %dma_wait3A_28 = arith.constant 0 : i32
      %dma_wait3A_29 = arith.constant 0 : i32
      %dma_wait3A_30 = tpu.memref_slice %arg9[%dma_wait3A_28, %dma_wait3A_29] : memref<1024x64xf32, #tpu.memory_space<vmem>> -> memref<632x64xf32, #tpu.memory_space<vmem>>
      %dma_wait3A_31 = arith.constant 0 : i32
      %dma_wait3A_32 = tpu.memref_slice %arg10[%mul3A_12, %dma_wait3A_31] : memref<10112x64xf32, #tpu.memory_space<vmem_shared>> -> memref<632x64xf32, #tpu.memory_space<vmem_shared>>
      tpu.wait_dma2 semaphore(%run_scoped3A : memref<!tpu.dma_semaphore, #tpu.memory_space<semaphore_mem>>) src(%dma_wait3A_32 : memref<632x64xf32, #tpu.memory_space<vmem_shared>>) dst(%dma_wait3A_30 : memref<632x64xf32, #tpu.memory_space<vmem>>)
      tpu.yield
    }) : () -> ()
    %mul3A_13 = arith.constant 632 : i32
    %mul3A_14 = arith.muli %arg1, %mul3A_13 : i32
    "tpu.region"() ({
      %run_scoped3A = tpu.sem_alloc : memref<!tpu.dma_semaphore, #tpu.memory_space<semaphore_mem>>
      %dma_start3A = arith.constant 0 : i32
      %dma_start3A_15 = arith.constant 0 : i32
      %dma_start3A_16 = tpu.memref_slice %arg9[%dma_start3A, %dma_start3A_15] : memref<1024x64xf32, #tpu.memory_space<vmem>> -> memref<632x64xf32, #tpu.memory_space<vmem>>
      %dma_start3A_17 = arith.constant 0 : i32
      %dma_start3A_18 = tpu.memref_slice %arg6[%arg0, %mul3A_14, %dma_start3A_17] : memref<2x10112x64xf32, #tpu.memory_space<hbm>> -> memref<1x632x64xf32, #tpu.memory_space<hbm>>
      %dma_start3A_19 = tpu.memref_squeeze %dma_start3A_18 : memref<1x632x64xf32, #tpu.memory_space<hbm>> -> memref<632x64xf32, #tpu.memory_space<hbm>>
      %dma_start3A_20 = arith.constant 0 : i32
      %dma_start3A_21 = tpu.memref_slice %arg6[%arg0, %mul3A_14, %dma_start3A_20] : memref<2x10112x64xf32, #tpu.memory_space<hbm>> -> memref<1x632x64xf32, #tpu.memory_space<hbm>>
      %dma_start3A_22 = tpu.memref_squeeze %dma_start3A_21 : memref<1x632x64xf32, #tpu.memory_space<hbm>> -> memref<632x64xf32, #tpu.memory_space<hbm>>
      %dma_start3A_23 = arith.constant 0 : i32
      %dma_start3A_24 = arith.constant 0 : i32
      %dma_start3A_25 = tpu.memref_slice %arg9[%dma_start3A_23, %dma_start3A_24] : memref<1024x64xf32, #tpu.memory_space<vmem>> -> memref<632x64xf32, #tpu.memory_space<vmem>>
      tpu.enqueue_dma source(%dma_start3A_25 : memref<632x64xf32, #tpu.memory_space<vmem>>) target(%dma_start3A_22 : memref<632x64xf32, #tpu.memory_space<hbm>>) target_semaphore(%run_scoped3A : memref<!tpu.dma_semaphore, #tpu.memory_space<semaphore_mem>>)
      %dma_wait3A = arith.constant 0 : i32
      %dma_wait3A_26 = arith.constant 0 : i32
      %dma_wait3A_27 = tpu.memref_slice %arg9[%dma_wait3A, %dma_wait3A_26] : memref<1024x64xf32, #tpu.memory_space<vmem>> -> memref<632x64xf32, #tpu.memory_space<vmem>>
      %dma_wait3A_28 = arith.constant 0 : i32
      %dma_wait3A_29 = tpu.memref_slice %arg6[%arg0, %mul3A_14, %dma_wait3A_28] : memref<2x10112x64xf32, #tpu.memory_space<hbm>> -> memref<1x632x64xf32, #tpu.memory_space<hbm>>
      %dma_wait3A_30 = tpu.memref_squeeze %dma_wait3A_29 : memref<1x632x64xf32, #tpu.memory_space<hbm>> -> memref<632x64xf32, #tpu.memory_space<hbm>>
      %dma_wait3A_31 = arith.constant 0 : i32
      %dma_wait3A_32 = tpu.memref_slice %arg6[%arg0, %mul3A_14, %dma_wait3A_31] : memref<2x10112x64xf32, #tpu.memory_space<hbm>> -> memref<1x632x64xf32, #tpu.memory_space<hbm>>
      %dma_wait3A_33 = tpu.memref_squeeze %dma_wait3A_32 : memref<1x632x64xf32, #tpu.memory_space<hbm>> -> memref<632x64xf32, #tpu.memory_space<hbm>>
      %dma_wait3A_34 = arith.constant 0 : i32
      %dma_wait3A_35 = arith.constant 0 : i32
      %dma_wait3A_36 = tpu.memref_slice %arg9[%dma_wait3A_34, %dma_wait3A_35] : memref<1024x64xf32, #tpu.memory_space<vmem>> -> memref<632x64xf32, #tpu.memory_space<vmem>>
      tpu.wait_dma2 semaphore(%run_scoped3A : memref<!tpu.dma_semaphore, #tpu.memory_space<semaphore_mem>>) src(%dma_wait3A_36 : memref<632x64xf32, #tpu.memory_space<vmem>>) dst(%dma_wait3A_33 : memref<632x64xf32, #tpu.memory_space<hbm>>)
      tpu.yield
    }) : () -> ()
    return
  }
}

#map = affine_map<(d0, d1) -> (0, 0)>
#map1 = affine_map<(d0, d1) -> (0)>
#map2 = affine_map<(d0, d1) -> (0, 0, 0)>
module attributes {stable_mosaic.version = 14 : i64} {
  func.func @_seg_body_deg(%arg0: i32, %arg1: i32, %arg2: memref<10112x64xf32, #tpu.memory_space<hbm>>, %arg3: memref<327680xi32, #tpu.memory_space<hbm>>, %arg4: memref<327680xi32, #tpu.memory_space<hbm>>, %arg5: memref<10112x64xf32, #tpu.memory_space<hbm>>, %arg6: memref<10112x8xf32, #tpu.memory_space<hbm>>, %arg7: memref<1024x8xf32, #tpu.memory_space<hbm>>, %arg8: memref<2x10112x64xf32, #tpu.memory_space<hbm>>, %arg9: memref<2x10112x8xf32, #tpu.memory_space<hbm>>, %arg10: memref<1024xi32, #tpu.memory_space<vmem>>, %arg11: memref<1024xi32, #tpu.memory_space<vmem>>, %arg12: memref<1024x64xf32, #tpu.memory_space<vmem>>, %arg13: memref<1024x8xf32, #tpu.memory_space<vmem>>, %arg14: memref<632x8xf32, #tpu.memory_space<vmem>>, %arg15: memref<10112x64xf32, #tpu.memory_space<vmem_shared>>, %arg16: memref<10112x8xf32, #tpu.memory_space<vmem_shared>>, %arg17: memref<!tpu.dma_semaphore, #tpu.memory_space<semaphore_mem>>) attributes {dimension_semantics = [#tpu.dimension_semantics<core_parallel>, #tpu.dimension_semantics<subcore_parallel>], iteration_bounds = array<i64: 2, 16>, scalar_prefetch = 0 : i64, scratch_operands = 8 : i64, tpu.core_type = #tpu.core_type<sc_vector_subcore>, window_params = [{transform_indices = #map}, {transform_indices = #map1}, {transform_indices = #map1}, {transform_indices = #map}, {transform_indices = #map}, {transform_indices = #map}, {transform_indices = #map2}, {transform_indices = #map2}]} {
    %mul3A = arith.constant 2 : i32
    %mul3A_0 = arith.muli %arg1, %mul3A : i32
    %add3A = arith.addi %mul3A_0, %arg0 : i32
    %mul3A_1 = arith.constant 632 : i32
    %mul3A_2 = arith.muli %arg1, %mul3A_1 : i32
    "tpu.region"() ({
      %run_scoped3A = tpu.sem_alloc : memref<!tpu.dma_semaphore, #tpu.memory_space<semaphore_mem>>
      %dma_start3A = arith.constant 0 : i32
      %dma_start3A_23 = arith.constant 0 : i32
      %dma_start3A_24 = tpu.memref_slice %arg12[%dma_start3A, %dma_start3A_23] : memref<1024x64xf32, #tpu.memory_space<vmem>> -> memref<632x64xf32, #tpu.memory_space<vmem>>
      %dma_start3A_25 = arith.constant 0 : i32
      %dma_start3A_26 = tpu.memref_slice %arg5[%mul3A_2, %dma_start3A_25] : memref<10112x64xf32, #tpu.memory_space<hbm>> -> memref<632x64xf32, #tpu.memory_space<hbm>>
      %dma_start3A_27 = arith.constant 0 : i32
      %dma_start3A_28 = arith.constant 0 : i32
      %dma_start3A_29 = tpu.memref_slice %arg12[%dma_start3A_27, %dma_start3A_28] : memref<1024x64xf32, #tpu.memory_space<vmem>> -> memref<632x64xf32, #tpu.memory_space<vmem>>
      %dma_start3A_30 = arith.constant 0 : i32
      %dma_start3A_31 = tpu.memref_slice %arg5[%mul3A_2, %dma_start3A_30] : memref<10112x64xf32, #tpu.memory_space<hbm>> -> memref<632x64xf32, #tpu.memory_space<hbm>>
      tpu.enqueue_dma source(%dma_start3A_31 : memref<632x64xf32, #tpu.memory_space<hbm>>) target(%dma_start3A_29 : memref<632x64xf32, #tpu.memory_space<vmem>>) target_semaphore(%run_scoped3A : memref<!tpu.dma_semaphore, #tpu.memory_space<semaphore_mem>>)
      %dma_wait3A = arith.constant 0 : i32
      %dma_wait3A_32 = arith.constant 0 : i32
      %dma_wait3A_33 = tpu.memref_slice %arg12[%dma_wait3A, %dma_wait3A_32] : memref<1024x64xf32, #tpu.memory_space<vmem>> -> memref<632x64xf32, #tpu.memory_space<vmem>>
      %dma_wait3A_34 = arith.constant 0 : i32
      %dma_wait3A_35 = tpu.memref_slice %arg5[%mul3A_2, %dma_wait3A_34] : memref<10112x64xf32, #tpu.memory_space<hbm>> -> memref<632x64xf32, #tpu.memory_space<hbm>>
      %dma_wait3A_36 = arith.constant 0 : i32
      %dma_wait3A_37 = arith.constant 0 : i32
      %dma_wait3A_38 = tpu.memref_slice %arg12[%dma_wait3A_36, %dma_wait3A_37] : memref<1024x64xf32, #tpu.memory_space<vmem>> -> memref<632x64xf32, #tpu.memory_space<vmem>>
      %dma_wait3A_39 = arith.constant 0 : i32
      %dma_wait3A_40 = tpu.memref_slice %arg5[%mul3A_2, %dma_wait3A_39] : memref<10112x64xf32, #tpu.memory_space<hbm>> -> memref<632x64xf32, #tpu.memory_space<hbm>>
      tpu.wait_dma2 semaphore(%run_scoped3A : memref<!tpu.dma_semaphore, #tpu.memory_space<semaphore_mem>>) src(%dma_wait3A_40 : memref<632x64xf32, #tpu.memory_space<hbm>>) dst(%dma_wait3A_38 : memref<632x64xf32, #tpu.memory_space<vmem>>)
      tpu.yield
    }) : () -> ()
    %mul3A_3 = arith.constant 632 : i32
    %mul3A_4 = arith.muli %arg1, %mul3A_3 : i32
    "tpu.region"() ({
      %run_scoped3A = tpu.sem_alloc : memref<!tpu.dma_semaphore, #tpu.memory_space<semaphore_mem>>
      %dma_start3A = arith.constant 0 : i32
      %dma_start3A_23 = arith.constant 0 : i32
      %dma_start3A_24 = tpu.memref_slice %arg12[%dma_start3A, %dma_start3A_23] : memref<1024x64xf32, #tpu.memory_space<vmem>> -> memref<632x64xf32, #tpu.memory_space<vmem>>
      %dma_start3A_25 = arith.constant 0 : i32
      %dma_start3A_26 = tpu.memref_slice %arg15[%mul3A_4, %dma_start3A_25] : memref<10112x64xf32, #tpu.memory_space<vmem_shared>> -> memref<632x64xf32, #tpu.memory_space<vmem_shared>>
      %dma_start3A_27 = arith.constant 0 : i32
      %dma_start3A_28 = tpu.memref_slice %arg15[%mul3A_4, %dma_start3A_27] : memref<10112x64xf32, #tpu.memory_space<vmem_shared>> -> memref<632x64xf32, #tpu.memory_space<vmem_shared>>
      %dma_start3A_29 = arith.constant 0 : i32
      %dma_start3A_30 = arith.constant 0 : i32
      %dma_start3A_31 = tpu.memref_slice %arg12[%dma_start3A_29, %dma_start3A_30] : memref<1024x64xf32, #tpu.memory_space<vmem>> -> memref<632x64xf32, #tpu.memory_space<vmem>>
      tpu.enqueue_dma source(%dma_start3A_31 : memref<632x64xf32, #tpu.memory_space<vmem>>) target(%dma_start3A_28 : memref<632x64xf32, #tpu.memory_space<vmem_shared>>) target_semaphore(%run_scoped3A : memref<!tpu.dma_semaphore, #tpu.memory_space<semaphore_mem>>)
      %dma_wait3A = arith.constant 0 : i32
      %dma_wait3A_32 = arith.constant 0 : i32
      %dma_wait3A_33 = tpu.memref_slice %arg12[%dma_wait3A, %dma_wait3A_32] : memref<1024x64xf32, #tpu.memory_space<vmem>> -> memref<632x64xf32, #tpu.memory_space<vmem>>
      %dma_wait3A_34 = arith.constant 0 : i32
      %dma_wait3A_35 = tpu.memref_slice %arg15[%mul3A_4, %dma_wait3A_34] : memref<10112x64xf32, #tpu.memory_space<vmem_shared>> -> memref<632x64xf32, #tpu.memory_space<vmem_shared>>
      %dma_wait3A_36 = arith.constant 0 : i32
      %dma_wait3A_37 = tpu.memref_slice %arg15[%mul3A_4, %dma_wait3A_36] : memref<10112x64xf32, #tpu.memory_space<vmem_shared>> -> memref<632x64xf32, #tpu.memory_space<vmem_shared>>
      %dma_wait3A_38 = arith.constant 0 : i32
      %dma_wait3A_39 = arith.constant 0 : i32
      %dma_wait3A_40 = tpu.memref_slice %arg12[%dma_wait3A_38, %dma_wait3A_39] : memref<1024x64xf32, #tpu.memory_space<vmem>> -> memref<632x64xf32, #tpu.memory_space<vmem>>
      tpu.wait_dma2 semaphore(%run_scoped3A : memref<!tpu.dma_semaphore, #tpu.memory_space<semaphore_mem>>) src(%dma_wait3A_40 : memref<632x64xf32, #tpu.memory_space<vmem>>) dst(%dma_wait3A_37 : memref<632x64xf32, #tpu.memory_space<vmem_shared>>)
      tpu.yield
    }) : () -> ()
    %mul3A_5 = arith.constant 632 : i32
    %mul3A_6 = arith.muli %arg1, %mul3A_5 : i32
    "tpu.region"() ({
      %run_scoped3A = tpu.sem_alloc : memref<!tpu.dma_semaphore, #tpu.memory_space<semaphore_mem>>
      %dma_start3A = arith.constant 0 : i32
      %dma_start3A_23 = tpu.memref_slice %arg6[%mul3A_6, %dma_start3A] : memref<10112x8xf32, #tpu.memory_space<hbm>> -> memref<632x8xf32, #tpu.memory_space<hbm>>
      %dma_start3A_24 = arith.constant 0 : i32
      %dma_start3A_25 = tpu.memref_slice %arg6[%mul3A_6, %dma_start3A_24] : memref<10112x8xf32, #tpu.memory_space<hbm>> -> memref<632x8xf32, #tpu.memory_space<hbm>>
      tpu.enqueue_dma source(%dma_start3A_25 : memref<632x8xf32, #tpu.memory_space<hbm>>) target(%arg14 : memref<632x8xf32, #tpu.memory_space<vmem>>) target_semaphore(%run_scoped3A : memref<!tpu.dma_semaphore, #tpu.memory_space<semaphore_mem>>)
      %dma_wait3A = arith.constant 0 : i32
      %dma_wait3A_26 = tpu.memref_slice %arg6[%mul3A_6, %dma_wait3A] : memref<10112x8xf32, #tpu.memory_space<hbm>> -> memref<632x8xf32, #tpu.memory_space<hbm>>
      %dma_wait3A_27 = arith.constant 0 : i32
      %dma_wait3A_28 = tpu.memref_slice %arg6[%mul3A_6, %dma_wait3A_27] : memref<10112x8xf32, #tpu.memory_space<hbm>> -> memref<632x8xf32, #tpu.memory_space<hbm>>
      tpu.wait_dma2 semaphore(%run_scoped3A : memref<!tpu.dma_semaphore, #tpu.memory_space<semaphore_mem>>) src(%dma_wait3A_28 : memref<632x8xf32, #tpu.memory_space<hbm>>) dst(%arg14 : memref<632x8xf32, #tpu.memory_space<vmem>>)
      tpu.yield
    }) : () -> ()
    %mul3A_7 = arith.constant 632 : i32
    %mul3A_8 = arith.muli %arg1, %mul3A_7 : i32
    "tpu.region"() ({
      %run_scoped3A = tpu.sem_alloc : memref<!tpu.dma_semaphore, #tpu.memory_space<semaphore_mem>>
      %dma_start3A = arith.constant 0 : i32
      %dma_start3A_23 = tpu.memref_slice %arg16[%mul3A_8, %dma_start3A] : memref<10112x8xf32, #tpu.memory_space<vmem_shared>> -> memref<632x8xf32, #tpu.memory_space<vmem_shared>>
      %dma_start3A_24 = arith.constant 0 : i32
      %dma_start3A_25 = tpu.memref_slice %arg16[%mul3A_8, %dma_start3A_24] : memref<10112x8xf32, #tpu.memory_space<vmem_shared>> -> memref<632x8xf32, #tpu.memory_space<vmem_shared>>
      tpu.enqueue_dma source(%arg14 : memref<632x8xf32, #tpu.memory_space<vmem>>) target(%dma_start3A_25 : memref<632x8xf32, #tpu.memory_space<vmem_shared>>) target_semaphore(%run_scoped3A : memref<!tpu.dma_semaphore, #tpu.memory_space<semaphore_mem>>)
      %dma_wait3A = arith.constant 0 : i32
      %dma_wait3A_26 = tpu.memref_slice %arg16[%mul3A_8, %dma_wait3A] : memref<10112x8xf32, #tpu.memory_space<vmem_shared>> -> memref<632x8xf32, #tpu.memory_space<vmem_shared>>
      %dma_wait3A_27 = arith.constant 0 : i32
      %dma_wait3A_28 = tpu.memref_slice %arg16[%mul3A_8, %dma_wait3A_27] : memref<10112x8xf32, #tpu.memory_space<vmem_shared>> -> memref<632x8xf32, #tpu.memory_space<vmem_shared>>
      tpu.wait_dma2 semaphore(%run_scoped3A : memref<!tpu.dma_semaphore, #tpu.memory_space<semaphore_mem>>) src(%arg14 : memref<632x8xf32, #tpu.memory_space<vmem>>) dst(%dma_wait3A_28 : memref<632x8xf32, #tpu.memory_space<vmem_shared>>)
      tpu.yield
    }) : () -> ()
    "tpu.region"() ({
      %run_scoped3A = tpu.sem_alloc : memref<!tpu.dma_semaphore, #tpu.memory_space<semaphore_mem>>
      tpu.enqueue_dma source(%arg7 : memref<1024x8xf32, #tpu.memory_space<hbm>>) target(%arg13 : memref<1024x8xf32, #tpu.memory_space<vmem>>) target_semaphore(%run_scoped3A : memref<!tpu.dma_semaphore, #tpu.memory_space<semaphore_mem>>)
      tpu.wait_dma2 semaphore(%run_scoped3A : memref<!tpu.dma_semaphore, #tpu.memory_space<semaphore_mem>>) src(%arg7 : memref<1024x8xf32, #tpu.memory_space<hbm>>) dst(%arg13 : memref<1024x8xf32, #tpu.memory_space<vmem>>)
      tpu.yield
    }) : () -> ()
    %barrier3A = arith.constant 0 : index
    tpu.barrier barrier_id(%barrier3A)
    %scan3A = arith.constant 0 : i32
    %scan3A_9 = arith.constant 0 : i32
    %scan3A_10 = arith.constant 10 : i32
    %scan3A_11 = arith.addi %scan3A_9, %scan3A_10 : i32
    %scan3A_12 = arith.constant 1 : i32
    scf.for %scan3A_23 = %scan3A_9 to %scan3A_11 step %scan3A_12  : i32 {
      %mul3A_24 = arith.constant 10 : i32
      %mul3A_25 = arith.muli %add3A, %mul3A_24 : i32
      %add3A_26 = arith.addi %mul3A_25, %scan3A_23 : i32
      %mul3A_27 = arith.constant 1024 : i32
      %mul3A_28 = arith.muli %add3A_26, %mul3A_27 : i32
      "tpu.region"() ({
        %run_scoped3A = tpu.sem_alloc : memref<!tpu.dma_semaphore, #tpu.memory_space<semaphore_mem>>
        %dma_start3A_33 = tpu.memref_slice %arg3[%mul3A_28] : memref<327680xi32, #tpu.memory_space<hbm>> -> memref<1024xi32, #tpu.memory_space<hbm>>
        %dma_start3A_34 = tpu.memref_slice %arg3[%mul3A_28] : memref<327680xi32, #tpu.memory_space<hbm>> -> memref<1024xi32, #tpu.memory_space<hbm>>
        tpu.enqueue_dma source(%dma_start3A_34 : memref<1024xi32, #tpu.memory_space<hbm>>) target(%arg10 : memref<1024xi32, #tpu.memory_space<vmem>>) target_semaphore(%run_scoped3A : memref<!tpu.dma_semaphore, #tpu.memory_space<semaphore_mem>>)
        %dma_wait3A_35 = tpu.memref_slice %arg3[%mul3A_28] : memref<327680xi32, #tpu.memory_space<hbm>> -> memref<1024xi32, #tpu.memory_space<hbm>>
        %dma_wait3A_36 = tpu.memref_slice %arg3[%mul3A_28] : memref<327680xi32, #tpu.memory_space<hbm>> -> memref<1024xi32, #tpu.memory_space<hbm>>
        tpu.wait_dma2 semaphore(%run_scoped3A : memref<!tpu.dma_semaphore, #tpu.memory_space<semaphore_mem>>) src(%dma_wait3A_36 : memref<1024xi32, #tpu.memory_space<hbm>>) dst(%arg10 : memref<1024xi32, #tpu.memory_space<vmem>>)
        tpu.yield
      }) : () -> ()
      "tpu.region"() ({
        %run_scoped3A = tpu.sem_alloc : memref<!tpu.dma_semaphore, #tpu.memory_space<semaphore_mem>>
        %dma_start3A_33 = tpu.memref_slice %arg4[%mul3A_28] : memref<327680xi32, #tpu.memory_space<hbm>> -> memref<1024xi32, #tpu.memory_space<hbm>>
        %dma_start3A_34 = tpu.memref_slice %arg4[%mul3A_28] : memref<327680xi32, #tpu.memory_space<hbm>> -> memref<1024xi32, #tpu.memory_space<hbm>>
        tpu.enqueue_dma source(%dma_start3A_34 : memref<1024xi32, #tpu.memory_space<hbm>>) target(%arg11 : memref<1024xi32, #tpu.memory_space<vmem>>) target_semaphore(%run_scoped3A : memref<!tpu.dma_semaphore, #tpu.memory_space<semaphore_mem>>)
        %dma_wait3A_35 = tpu.memref_slice %arg4[%mul3A_28] : memref<327680xi32, #tpu.memory_space<hbm>> -> memref<1024xi32, #tpu.memory_space<hbm>>
        %dma_wait3A_36 = tpu.memref_slice %arg4[%mul3A_28] : memref<327680xi32, #tpu.memory_space<hbm>> -> memref<1024xi32, #tpu.memory_space<hbm>>
        tpu.wait_dma2 semaphore(%run_scoped3A : memref<!tpu.dma_semaphore, #tpu.memory_space<semaphore_mem>>) src(%dma_wait3A_36 : memref<1024xi32, #tpu.memory_space<hbm>>) dst(%arg11 : memref<1024xi32, #tpu.memory_space<vmem>>)
        tpu.yield
      }) : () -> ()
      %dma_start3A = arith.constant 0 : i32
      %dma_start3A_29 = arith.constant 0 : i32
      %dma_start3A_30 = tpu.memref_slice %arg2[%dma_start3A, %dma_start3A_29] : memref<10112x64xf32, #tpu.memory_space<hbm>> -> memref<10112x64xf32, #tpu.memory_space<hbm>>
      tpu.enqueue_indirect_dma source(%dma_start3A_30 : memref<10112x64xf32, #tpu.memory_space<hbm>>) target(%arg12 : memref<1024x64xf32, #tpu.memory_space<vmem>>) offsets(%arg10 : memref<1024xi32, #tpu.memory_space<vmem>>) semaphore(%arg17 : memref<!tpu.dma_semaphore, #tpu.memory_space<semaphore_mem>>)
      %dma_wait3A = arith.constant 0 : i32
      %dma_wait3A_31 = arith.constant 0 : i32
      %dma_wait3A_32 = tpu.memref_slice %arg2[%dma_wait3A, %dma_wait3A_31] : memref<10112x64xf32, #tpu.memory_space<hbm>> -> memref<10112x64xf32, #tpu.memory_space<hbm>>
      tpu.wait_indirect_dma semaphore(%arg17 : memref<!tpu.dma_semaphore, #tpu.memory_space<semaphore_mem>>) src(%dma_wait3A_32 : memref<10112x64xf32, #tpu.memory_space<hbm>>) dst(%arg12 : memref<1024x64xf32, #tpu.memory_space<vmem>>)
      "tpu.region"() ({
        %run_scoped3A = tpu.sem_alloc : memref<!tpu.dma_semaphore, #tpu.memory_space<semaphore_mem>>
        %dma_start3A_33 = arith.constant 0 : i32
        %dma_start3A_34 = arith.constant 0 : i32
        %dma_start3A_35 = tpu.memref_slice %arg15[%dma_start3A_33, %dma_start3A_34] : memref<10112x64xf32, #tpu.memory_space<vmem_shared>> -> memref<10112x64xf32, #tpu.memory_space<vmem_shared>>
        tpu.enqueue_indirect_dma source(%arg12 : memref<1024x64xf32, #tpu.memory_space<vmem>>) target(%dma_start3A_35 : memref<10112x64xf32, #tpu.memory_space<vmem_shared>>) offsets(%arg11 : memref<1024xi32, #tpu.memory_space<vmem>>) semaphore(%run_scoped3A : memref<!tpu.dma_semaphore, #tpu.memory_space<semaphore_mem>>) {add = true}
        %dma_wait3A_36 = arith.constant 0 : i32
        %dma_wait3A_37 = arith.constant 0 : i32
        %dma_wait3A_38 = tpu.memref_slice %arg15[%dma_wait3A_36, %dma_wait3A_37] : memref<10112x64xf32, #tpu.memory_space<vmem_shared>> -> memref<10112x64xf32, #tpu.memory_space<vmem_shared>>
        tpu.wait_indirect_dma semaphore(%run_scoped3A : memref<!tpu.dma_semaphore, #tpu.memory_space<semaphore_mem>>) src(%arg12 : memref<1024x64xf32, #tpu.memory_space<vmem>>) dst(%dma_wait3A_38 : memref<10112x64xf32, #tpu.memory_space<vmem_shared>>)
        tpu.yield
      }) : () -> ()
      "tpu.region"() ({
        %run_scoped3A = tpu.sem_alloc : memref<!tpu.dma_semaphore, #tpu.memory_space<semaphore_mem>>
        %dma_start3A_33 = arith.constant 0 : i32
        %dma_start3A_34 = arith.constant 0 : i32
        %dma_start3A_35 = tpu.memref_slice %arg16[%dma_start3A_33, %dma_start3A_34] : memref<10112x8xf32, #tpu.memory_space<vmem_shared>> -> memref<10112x8xf32, #tpu.memory_space<vmem_shared>>
        tpu.enqueue_indirect_dma source(%arg13 : memref<1024x8xf32, #tpu.memory_space<vmem>>) target(%dma_start3A_35 : memref<10112x8xf32, #tpu.memory_space<vmem_shared>>) offsets(%arg11 : memref<1024xi32, #tpu.memory_space<vmem>>) semaphore(%run_scoped3A : memref<!tpu.dma_semaphore, #tpu.memory_space<semaphore_mem>>) {add = true}
        %dma_wait3A_36 = arith.constant 0 : i32
        %dma_wait3A_37 = arith.constant 0 : i32
        %dma_wait3A_38 = tpu.memref_slice %arg16[%dma_wait3A_36, %dma_wait3A_37] : memref<10112x8xf32, #tpu.memory_space<vmem_shared>> -> memref<10112x8xf32, #tpu.memory_space<vmem_shared>>
        tpu.wait_indirect_dma semaphore(%run_scoped3A : memref<!tpu.dma_semaphore, #tpu.memory_space<semaphore_mem>>) src(%arg13 : memref<1024x8xf32, #tpu.memory_space<vmem>>) dst(%dma_wait3A_38 : memref<10112x8xf32, #tpu.memory_space<vmem_shared>>)
        tpu.yield
      }) : () -> ()
    }
    %scan3A_13 = arith.constant 10 : i32
    %barrier3A_14 = arith.constant 0 : index
    tpu.barrier barrier_id(%barrier3A_14)
    %mul3A_15 = arith.constant 632 : i32
    %mul3A_16 = arith.muli %arg1, %mul3A_15 : i32
    "tpu.region"() ({
      %run_scoped3A = tpu.sem_alloc : memref<!tpu.dma_semaphore, #tpu.memory_space<semaphore_mem>>
      %dma_start3A = arith.constant 0 : i32
      %dma_start3A_23 = arith.constant 0 : i32
      %dma_start3A_24 = tpu.memref_slice %arg12[%dma_start3A, %dma_start3A_23] : memref<1024x64xf32, #tpu.memory_space<vmem>> -> memref<632x64xf32, #tpu.memory_space<vmem>>
      %dma_start3A_25 = arith.constant 0 : i32
      %dma_start3A_26 = tpu.memref_slice %arg15[%mul3A_16, %dma_start3A_25] : memref<10112x64xf32, #tpu.memory_space<vmem_shared>> -> memref<632x64xf32, #tpu.memory_space<vmem_shared>>
      %dma_start3A_27 = arith.constant 0 : i32
      %dma_start3A_28 = arith.constant 0 : i32
      %dma_start3A_29 = tpu.memref_slice %arg12[%dma_start3A_27, %dma_start3A_28] : memref<1024x64xf32, #tpu.memory_space<vmem>> -> memref<632x64xf32, #tpu.memory_space<vmem>>
      %dma_start3A_30 = arith.constant 0 : i32
      %dma_start3A_31 = tpu.memref_slice %arg15[%mul3A_16, %dma_start3A_30] : memref<10112x64xf32, #tpu.memory_space<vmem_shared>> -> memref<632x64xf32, #tpu.memory_space<vmem_shared>>
      tpu.enqueue_dma source(%dma_start3A_31 : memref<632x64xf32, #tpu.memory_space<vmem_shared>>) target(%dma_start3A_29 : memref<632x64xf32, #tpu.memory_space<vmem>>) target_semaphore(%run_scoped3A : memref<!tpu.dma_semaphore, #tpu.memory_space<semaphore_mem>>)
      %dma_wait3A = arith.constant 0 : i32
      %dma_wait3A_32 = arith.constant 0 : i32
      %dma_wait3A_33 = tpu.memref_slice %arg12[%dma_wait3A, %dma_wait3A_32] : memref<1024x64xf32, #tpu.memory_space<vmem>> -> memref<632x64xf32, #tpu.memory_space<vmem>>
      %dma_wait3A_34 = arith.constant 0 : i32
      %dma_wait3A_35 = tpu.memref_slice %arg15[%mul3A_16, %dma_wait3A_34] : memref<10112x64xf32, #tpu.memory_space<vmem_shared>> -> memref<632x64xf32, #tpu.memory_space<vmem_shared>>
      %dma_wait3A_36 = arith.constant 0 : i32
      %dma_wait3A_37 = arith.constant 0 : i32
      %dma_wait3A_38 = tpu.memref_slice %arg12[%dma_wait3A_36, %dma_wait3A_37] : memref<1024x64xf32, #tpu.memory_space<vmem>> -> memref<632x64xf32, #tpu.memory_space<vmem>>
      %dma_wait3A_39 = arith.constant 0 : i32
      %dma_wait3A_40 = tpu.memref_slice %arg15[%mul3A_16, %dma_wait3A_39] : memref<10112x64xf32, #tpu.memory_space<vmem_shared>> -> memref<632x64xf32, #tpu.memory_space<vmem_shared>>
      tpu.wait_dma2 semaphore(%run_scoped3A : memref<!tpu.dma_semaphore, #tpu.memory_space<semaphore_mem>>) src(%dma_wait3A_40 : memref<632x64xf32, #tpu.memory_space<vmem_shared>>) dst(%dma_wait3A_38 : memref<632x64xf32, #tpu.memory_space<vmem>>)
      tpu.yield
    }) : () -> ()
    %mul3A_17 = arith.constant 632 : i32
    %mul3A_18 = arith.muli %arg1, %mul3A_17 : i32
    "tpu.region"() ({
      %run_scoped3A = tpu.sem_alloc : memref<!tpu.dma_semaphore, #tpu.memory_space<semaphore_mem>>
      %dma_start3A = arith.constant 0 : i32
      %dma_start3A_23 = arith.constant 0 : i32
      %dma_start3A_24 = tpu.memref_slice %arg12[%dma_start3A, %dma_start3A_23] : memref<1024x64xf32, #tpu.memory_space<vmem>> -> memref<632x64xf32, #tpu.memory_space<vmem>>
      %dma_start3A_25 = arith.constant 0 : i32
      %dma_start3A_26 = tpu.memref_slice %arg8[%arg0, %mul3A_18, %dma_start3A_25] : memref<2x10112x64xf32, #tpu.memory_space<hbm>> -> memref<1x632x64xf32, #tpu.memory_space<hbm>>
      %dma_start3A_27 = tpu.memref_squeeze %dma_start3A_26 : memref<1x632x64xf32, #tpu.memory_space<hbm>> -> memref<632x64xf32, #tpu.memory_space<hbm>>
      %dma_start3A_28 = arith.constant 0 : i32
      %dma_start3A_29 = tpu.memref_slice %arg8[%arg0, %mul3A_18, %dma_start3A_28] : memref<2x10112x64xf32, #tpu.memory_space<hbm>> -> memref<1x632x64xf32, #tpu.memory_space<hbm>>
      %dma_start3A_30 = tpu.memref_squeeze %dma_start3A_29 : memref<1x632x64xf32, #tpu.memory_space<hbm>> -> memref<632x64xf32, #tpu.memory_space<hbm>>
      %dma_start3A_31 = arith.constant 0 : i32
      %dma_start3A_32 = arith.constant 0 : i32
      %dma_start3A_33 = tpu.memref_slice %arg12[%dma_start3A_31, %dma_start3A_32] : memref<1024x64xf32, #tpu.memory_space<vmem>> -> memref<632x64xf32, #tpu.memory_space<vmem>>
      tpu.enqueue_dma source(%dma_start3A_33 : memref<632x64xf32, #tpu.memory_space<vmem>>) target(%dma_start3A_30 : memref<632x64xf32, #tpu.memory_space<hbm>>) target_semaphore(%run_scoped3A : memref<!tpu.dma_semaphore, #tpu.memory_space<semaphore_mem>>)
      %dma_wait3A = arith.constant 0 : i32
      %dma_wait3A_34 = arith.constant 0 : i32
      %dma_wait3A_35 = tpu.memref_slice %arg12[%dma_wait3A, %dma_wait3A_34] : memref<1024x64xf32, #tpu.memory_space<vmem>> -> memref<632x64xf32, #tpu.memory_space<vmem>>
      %dma_wait3A_36 = arith.constant 0 : i32
      %dma_wait3A_37 = tpu.memref_slice %arg8[%arg0, %mul3A_18, %dma_wait3A_36] : memref<2x10112x64xf32, #tpu.memory_space<hbm>> -> memref<1x632x64xf32, #tpu.memory_space<hbm>>
      %dma_wait3A_38 = tpu.memref_squeeze %dma_wait3A_37 : memref<1x632x64xf32, #tpu.memory_space<hbm>> -> memref<632x64xf32, #tpu.memory_space<hbm>>
      %dma_wait3A_39 = arith.constant 0 : i32
      %dma_wait3A_40 = tpu.memref_slice %arg8[%arg0, %mul3A_18, %dma_wait3A_39] : memref<2x10112x64xf32, #tpu.memory_space<hbm>> -> memref<1x632x64xf32, #tpu.memory_space<hbm>>
      %dma_wait3A_41 = tpu.memref_squeeze %dma_wait3A_40 : memref<1x632x64xf32, #tpu.memory_space<hbm>> -> memref<632x64xf32, #tpu.memory_space<hbm>>
      %dma_wait3A_42 = arith.constant 0 : i32
      %dma_wait3A_43 = arith.constant 0 : i32
      %dma_wait3A_44 = tpu.memref_slice %arg12[%dma_wait3A_42, %dma_wait3A_43] : memref<1024x64xf32, #tpu.memory_space<vmem>> -> memref<632x64xf32, #tpu.memory_space<vmem>>
      tpu.wait_dma2 semaphore(%run_scoped3A : memref<!tpu.dma_semaphore, #tpu.memory_space<semaphore_mem>>) src(%dma_wait3A_44 : memref<632x64xf32, #tpu.memory_space<vmem>>) dst(%dma_wait3A_41 : memref<632x64xf32, #tpu.memory_space<hbm>>)
      tpu.yield
    }) : () -> ()
    %mul3A_19 = arith.constant 632 : i32
    %mul3A_20 = arith.muli %arg1, %mul3A_19 : i32
    "tpu.region"() ({
      %run_scoped3A = tpu.sem_alloc : memref<!tpu.dma_semaphore, #tpu.memory_space<semaphore_mem>>
      %dma_start3A = arith.constant 0 : i32
      %dma_start3A_23 = tpu.memref_slice %arg16[%mul3A_20, %dma_start3A] : memref<10112x8xf32, #tpu.memory_space<vmem_shared>> -> memref<632x8xf32, #tpu.memory_space<vmem_shared>>
      %dma_start3A_24 = arith.constant 0 : i32
      %dma_start3A_25 = tpu.memref_slice %arg16[%mul3A_20, %dma_start3A_24] : memref<10112x8xf32, #tpu.memory_space<vmem_shared>> -> memref<632x8xf32, #tpu.memory_space<vmem_shared>>
      tpu.enqueue_dma source(%dma_start3A_25 : memref<632x8xf32, #tpu.memory_space<vmem_shared>>) target(%arg14 : memref<632x8xf32, #tpu.memory_space<vmem>>) target_semaphore(%run_scoped3A : memref<!tpu.dma_semaphore, #tpu.memory_space<semaphore_mem>>)
      %dma_wait3A = arith.constant 0 : i32
      %dma_wait3A_26 = tpu.memref_slice %arg16[%mul3A_20, %dma_wait3A] : memref<10112x8xf32, #tpu.memory_space<vmem_shared>> -> memref<632x8xf32, #tpu.memory_space<vmem_shared>>
      %dma_wait3A_27 = arith.constant 0 : i32
      %dma_wait3A_28 = tpu.memref_slice %arg16[%mul3A_20, %dma_wait3A_27] : memref<10112x8xf32, #tpu.memory_space<vmem_shared>> -> memref<632x8xf32, #tpu.memory_space<vmem_shared>>
      tpu.wait_dma2 semaphore(%run_scoped3A : memref<!tpu.dma_semaphore, #tpu.memory_space<semaphore_mem>>) src(%dma_wait3A_28 : memref<632x8xf32, #tpu.memory_space<vmem_shared>>) dst(%arg14 : memref<632x8xf32, #tpu.memory_space<vmem>>)
      tpu.yield
    }) : () -> ()
    %mul3A_21 = arith.constant 632 : i32
    %mul3A_22 = arith.muli %arg1, %mul3A_21 : i32
    "tpu.region"() ({
      %run_scoped3A = tpu.sem_alloc : memref<!tpu.dma_semaphore, #tpu.memory_space<semaphore_mem>>
      %dma_start3A = arith.constant 0 : i32
      %dma_start3A_23 = tpu.memref_slice %arg9[%arg0, %mul3A_22, %dma_start3A] : memref<2x10112x8xf32, #tpu.memory_space<hbm>> -> memref<1x632x8xf32, #tpu.memory_space<hbm>>
      %dma_start3A_24 = tpu.memref_squeeze %dma_start3A_23 : memref<1x632x8xf32, #tpu.memory_space<hbm>> -> memref<632x8xf32, #tpu.memory_space<hbm>>
      %dma_start3A_25 = arith.constant 0 : i32
      %dma_start3A_26 = tpu.memref_slice %arg9[%arg0, %mul3A_22, %dma_start3A_25] : memref<2x10112x8xf32, #tpu.memory_space<hbm>> -> memref<1x632x8xf32, #tpu.memory_space<hbm>>
      %dma_start3A_27 = tpu.memref_squeeze %dma_start3A_26 : memref<1x632x8xf32, #tpu.memory_space<hbm>> -> memref<632x8xf32, #tpu.memory_space<hbm>>
      tpu.enqueue_dma source(%arg14 : memref<632x8xf32, #tpu.memory_space<vmem>>) target(%dma_start3A_27 : memref<632x8xf32, #tpu.memory_space<hbm>>) target_semaphore(%run_scoped3A : memref<!tpu.dma_semaphore, #tpu.memory_space<semaphore_mem>>)
      %dma_wait3A = arith.constant 0 : i32
      %dma_wait3A_28 = tpu.memref_slice %arg9[%arg0, %mul3A_22, %dma_wait3A] : memref<2x10112x8xf32, #tpu.memory_space<hbm>> -> memref<1x632x8xf32, #tpu.memory_space<hbm>>
      %dma_wait3A_29 = tpu.memref_squeeze %dma_wait3A_28 : memref<1x632x8xf32, #tpu.memory_space<hbm>> -> memref<632x8xf32, #tpu.memory_space<hbm>>
      %dma_wait3A_30 = arith.constant 0 : i32
      %dma_wait3A_31 = tpu.memref_slice %arg9[%arg0, %mul3A_22, %dma_wait3A_30] : memref<2x10112x8xf32, #tpu.memory_space<hbm>> -> memref<1x632x8xf32, #tpu.memory_space<hbm>>
      %dma_wait3A_32 = tpu.memref_squeeze %dma_wait3A_31 : memref<1x632x8xf32, #tpu.memory_space<hbm>> -> memref<632x8xf32, #tpu.memory_space<hbm>>
      tpu.wait_dma2 semaphore(%run_scoped3A : memref<!tpu.dma_semaphore, #tpu.memory_space<semaphore_mem>>) src(%arg14 : memref<632x8xf32, #tpu.memory_space<vmem>>) dst(%dma_wait3A_32 : memref<632x8xf32, #tpu.memory_space<hbm>>)
      tpu.yield
    }) : () -> ()
    return
  }
}

#map = affine_map<(d0, d1) -> (0, 0)>
#map1 = affine_map<(d0, d1) -> (0)>
#map2 = affine_map<(d0, d1) -> (0, 0, 0)>
module attributes {stable_mosaic.version = 14 : i64} {
  func.func @_seg_body(%arg0: i32, %arg1: i32, %arg2: memref<10112x64xf32, #tpu.memory_space<hbm>>, %arg3: memref<327680xi32, #tpu.memory_space<hbm>>, %arg4: memref<327680xi32, #tpu.memory_space<hbm>>, %arg5: memref<10112x64xf32, #tpu.memory_space<hbm>>, %arg6: memref<2x10112x64xf32, #tpu.memory_space<hbm>>, %arg7: memref<1024xi32, #tpu.memory_space<vmem>>, %arg8: memref<1024xi32, #tpu.memory_space<vmem>>, %arg9: memref<1024x64xf32, #tpu.memory_space<vmem>>, %arg10: memref<10112x64xf32, #tpu.memory_space<vmem_shared>>, %arg11: memref<!tpu.dma_semaphore, #tpu.memory_space<semaphore_mem>>) attributes {dimension_semantics = [#tpu.dimension_semantics<core_parallel>, #tpu.dimension_semantics<subcore_parallel>], iteration_bounds = array<i64: 2, 16>, scalar_prefetch = 0 : i64, scratch_operands = 5 : i64, tpu.core_type = #tpu.core_type<sc_vector_subcore>, window_params = [{transform_indices = #map}, {transform_indices = #map1}, {transform_indices = #map1}, {transform_indices = #map}, {transform_indices = #map2}]} {
    %mul3A = arith.constant 2 : i32
    %mul3A_0 = arith.muli %arg1, %mul3A : i32
    %add3A = arith.addi %mul3A_0, %arg0 : i32
    %mul3A_1 = arith.constant 632 : i32
    %mul3A_2 = arith.muli %arg1, %mul3A_1 : i32
    "tpu.region"() ({
      %run_scoped3A = tpu.sem_alloc : memref<!tpu.dma_semaphore, #tpu.memory_space<semaphore_mem>>
      %dma_start3A = arith.constant 0 : i32
      %dma_start3A_15 = arith.constant 0 : i32
      %dma_start3A_16 = tpu.memref_slice %arg9[%dma_start3A, %dma_start3A_15] : memref<1024x64xf32, #tpu.memory_space<vmem>> -> memref<632x64xf32, #tpu.memory_space<vmem>>
      %dma_start3A_17 = arith.constant 0 : i32
      %dma_start3A_18 = tpu.memref_slice %arg5[%mul3A_2, %dma_start3A_17] : memref<10112x64xf32, #tpu.memory_space<hbm>> -> memref<632x64xf32, #tpu.memory_space<hbm>>
      %dma_start3A_19 = arith.constant 0 : i32
      %dma_start3A_20 = arith.constant 0 : i32
      %dma_start3A_21 = tpu.memref_slice %arg9[%dma_start3A_19, %dma_start3A_20] : memref<1024x64xf32, #tpu.memory_space<vmem>> -> memref<632x64xf32, #tpu.memory_space<vmem>>
      %dma_start3A_22 = arith.constant 0 : i32
      %dma_start3A_23 = tpu.memref_slice %arg5[%mul3A_2, %dma_start3A_22] : memref<10112x64xf32, #tpu.memory_space<hbm>> -> memref<632x64xf32, #tpu.memory_space<hbm>>
      tpu.enqueue_dma source(%dma_start3A_23 : memref<632x64xf32, #tpu.memory_space<hbm>>) target(%dma_start3A_21 : memref<632x64xf32, #tpu.memory_space<vmem>>) target_semaphore(%run_scoped3A : memref<!tpu.dma_semaphore, #tpu.memory_space<semaphore_mem>>)
      %dma_wait3A = arith.constant 0 : i32
      %dma_wait3A_24 = arith.constant 0 : i32
      %dma_wait3A_25 = tpu.memref_slice %arg9[%dma_wait3A, %dma_wait3A_24] : memref<1024x64xf32, #tpu.memory_space<vmem>> -> memref<632x64xf32, #tpu.memory_space<vmem>>
      %dma_wait3A_26 = arith.constant 0 : i32
      %dma_wait3A_27 = tpu.memref_slice %arg5[%mul3A_2, %dma_wait3A_26] : memref<10112x64xf32, #tpu.memory_space<hbm>> -> memref<632x64xf32, #tpu.memory_space<hbm>>
      %dma_wait3A_28 = arith.constant 0 : i32
      %dma_wait3A_29 = arith.constant 0 : i32
      %dma_wait3A_30 = tpu.memref_slice %arg9[%dma_wait3A_28, %dma_wait3A_29] : memref<1024x64xf32, #tpu.memory_space<vmem>> -> memref<632x64xf32, #tpu.memory_space<vmem>>
      %dma_wait3A_31 = arith.constant 0 : i32
      %dma_wait3A_32 = tpu.memref_slice %arg5[%mul3A_2, %dma_wait3A_31] : memref<10112x64xf32, #tpu.memory_space<hbm>> -> memref<632x64xf32, #tpu.memory_space<hbm>>
      tpu.wait_dma2 semaphore(%run_scoped3A : memref<!tpu.dma_semaphore, #tpu.memory_space<semaphore_mem>>) src(%dma_wait3A_32 : memref<632x64xf32, #tpu.memory_space<hbm>>) dst(%dma_wait3A_30 : memref<632x64xf32, #tpu.memory_space<vmem>>)
      tpu.yield
    }) : () -> ()
    %mul3A_3 = arith.constant 632 : i32
    %mul3A_4 = arith.muli %arg1, %mul3A_3 : i32
    "tpu.region"() ({
      %run_scoped3A = tpu.sem_alloc : memref<!tpu.dma_semaphore, #tpu.memory_space<semaphore_mem>>
      %dma_start3A = arith.constant 0 : i32
      %dma_start3A_15 = arith.constant 0 : i32
      %dma_start3A_16 = tpu.memref_slice %arg9[%dma_start3A, %dma_start3A_15] : memref<1024x64xf32, #tpu.memory_space<vmem>> -> memref<632x64xf32, #tpu.memory_space<vmem>>
      %dma_start3A_17 = arith.constant 0 : i32
      %dma_start3A_18 = tpu.memref_slice %arg10[%mul3A_4, %dma_start3A_17] : memref<10112x64xf32, #tpu.memory_space<vmem_shared>> -> memref<632x64xf32, #tpu.memory_space<vmem_shared>>
      %dma_start3A_19 = arith.constant 0 : i32
      %dma_start3A_20 = tpu.memref_slice %arg10[%mul3A_4, %dma_start3A_19] : memref<10112x64xf32, #tpu.memory_space<vmem_shared>> -> memref<632x64xf32, #tpu.memory_space<vmem_shared>>
      %dma_start3A_21 = arith.constant 0 : i32
      %dma_start3A_22 = arith.constant 0 : i32
      %dma_start3A_23 = tpu.memref_slice %arg9[%dma_start3A_21, %dma_start3A_22] : memref<1024x64xf32, #tpu.memory_space<vmem>> -> memref<632x64xf32, #tpu.memory_space<vmem>>
      tpu.enqueue_dma source(%dma_start3A_23 : memref<632x64xf32, #tpu.memory_space<vmem>>) target(%dma_start3A_20 : memref<632x64xf32, #tpu.memory_space<vmem_shared>>) target_semaphore(%run_scoped3A : memref<!tpu.dma_semaphore, #tpu.memory_space<semaphore_mem>>)
      %dma_wait3A = arith.constant 0 : i32
      %dma_wait3A_24 = arith.constant 0 : i32
      %dma_wait3A_25 = tpu.memref_slice %arg9[%dma_wait3A, %dma_wait3A_24] : memref<1024x64xf32, #tpu.memory_space<vmem>> -> memref<632x64xf32, #tpu.memory_space<vmem>>
      %dma_wait3A_26 = arith.constant 0 : i32
      %dma_wait3A_27 = tpu.memref_slice %arg10[%mul3A_4, %dma_wait3A_26] : memref<10112x64xf32, #tpu.memory_space<vmem_shared>> -> memref<632x64xf32, #tpu.memory_space<vmem_shared>>
      %dma_wait3A_28 = arith.constant 0 : i32
      %dma_wait3A_29 = tpu.memref_slice %arg10[%mul3A_4, %dma_wait3A_28] : memref<10112x64xf32, #tpu.memory_space<vmem_shared>> -> memref<632x64xf32, #tpu.memory_space<vmem_shared>>
      %dma_wait3A_30 = arith.constant 0 : i32
      %dma_wait3A_31 = arith.constant 0 : i32
      %dma_wait3A_32 = tpu.memref_slice %arg9[%dma_wait3A_30, %dma_wait3A_31] : memref<1024x64xf32, #tpu.memory_space<vmem>> -> memref<632x64xf32, #tpu.memory_space<vmem>>
      tpu.wait_dma2 semaphore(%run_scoped3A : memref<!tpu.dma_semaphore, #tpu.memory_space<semaphore_mem>>) src(%dma_wait3A_32 : memref<632x64xf32, #tpu.memory_space<vmem>>) dst(%dma_wait3A_29 : memref<632x64xf32, #tpu.memory_space<vmem_shared>>)
      tpu.yield
    }) : () -> ()
    %barrier3A = arith.constant 0 : index
    tpu.barrier barrier_id(%barrier3A)
    %scan3A = arith.constant 0 : i32
    %scan3A_5 = arith.constant 0 : i32
    %scan3A_6 = arith.constant 10 : i32
    %scan3A_7 = arith.addi %scan3A_5, %scan3A_6 : i32
    %scan3A_8 = arith.constant 1 : i32
    scf.for %scan3A_15 = %scan3A_5 to %scan3A_7 step %scan3A_8  : i32 {
      %mul3A_16 = arith.constant 10 : i32
      %mul3A_17 = arith.muli %add3A, %mul3A_16 : i32
      %add3A_18 = arith.addi %mul3A_17, %scan3A_15 : i32
      %mul3A_19 = arith.constant 1024 : i32
      %mul3A_20 = arith.muli %add3A_18, %mul3A_19 : i32
      "tpu.region"() ({
        %run_scoped3A = tpu.sem_alloc : memref<!tpu.dma_semaphore, #tpu.memory_space<semaphore_mem>>
        %dma_start3A_25 = tpu.memref_slice %arg3[%mul3A_20] : memref<327680xi32, #tpu.memory_space<hbm>> -> memref<1024xi32, #tpu.memory_space<hbm>>
        %dma_start3A_26 = tpu.memref_slice %arg3[%mul3A_20] : memref<327680xi32, #tpu.memory_space<hbm>> -> memref<1024xi32, #tpu.memory_space<hbm>>
        tpu.enqueue_dma source(%dma_start3A_26 : memref<1024xi32, #tpu.memory_space<hbm>>) target(%arg7 : memref<1024xi32, #tpu.memory_space<vmem>>) target_semaphore(%run_scoped3A : memref<!tpu.dma_semaphore, #tpu.memory_space<semaphore_mem>>)
        %dma_wait3A_27 = tpu.memref_slice %arg3[%mul3A_20] : memref<327680xi32, #tpu.memory_space<hbm>> -> memref<1024xi32, #tpu.memory_space<hbm>>
        %dma_wait3A_28 = tpu.memref_slice %arg3[%mul3A_20] : memref<327680xi32, #tpu.memory_space<hbm>> -> memref<1024xi32, #tpu.memory_space<hbm>>
        tpu.wait_dma2 semaphore(%run_scoped3A : memref<!tpu.dma_semaphore, #tpu.memory_space<semaphore_mem>>) src(%dma_wait3A_28 : memref<1024xi32, #tpu.memory_space<hbm>>) dst(%arg7 : memref<1024xi32, #tpu.memory_space<vmem>>)
        tpu.yield
      }) : () -> ()
      "tpu.region"() ({
        %run_scoped3A = tpu.sem_alloc : memref<!tpu.dma_semaphore, #tpu.memory_space<semaphore_mem>>
        %dma_start3A_25 = tpu.memref_slice %arg4[%mul3A_20] : memref<327680xi32, #tpu.memory_space<hbm>> -> memref<1024xi32, #tpu.memory_space<hbm>>
        %dma_start3A_26 = tpu.memref_slice %arg4[%mul3A_20] : memref<327680xi32, #tpu.memory_space<hbm>> -> memref<1024xi32, #tpu.memory_space<hbm>>
        tpu.enqueue_dma source(%dma_start3A_26 : memref<1024xi32, #tpu.memory_space<hbm>>) target(%arg8 : memref<1024xi32, #tpu.memory_space<vmem>>) target_semaphore(%run_scoped3A : memref<!tpu.dma_semaphore, #tpu.memory_space<semaphore_mem>>)
        %dma_wait3A_27 = tpu.memref_slice %arg4[%mul3A_20] : memref<327680xi32, #tpu.memory_space<hbm>> -> memref<1024xi32, #tpu.memory_space<hbm>>
        %dma_wait3A_28 = tpu.memref_slice %arg4[%mul3A_20] : memref<327680xi32, #tpu.memory_space<hbm>> -> memref<1024xi32, #tpu.memory_space<hbm>>
        tpu.wait_dma2 semaphore(%run_scoped3A : memref<!tpu.dma_semaphore, #tpu.memory_space<semaphore_mem>>) src(%dma_wait3A_28 : memref<1024xi32, #tpu.memory_space<hbm>>) dst(%arg8 : memref<1024xi32, #tpu.memory_space<vmem>>)
        tpu.yield
      }) : () -> ()
      %dma_start3A = arith.constant 0 : i32
      %dma_start3A_21 = arith.constant 0 : i32
      %dma_start3A_22 = tpu.memref_slice %arg2[%dma_start3A, %dma_start3A_21] : memref<10112x64xf32, #tpu.memory_space<hbm>> -> memref<10112x64xf32, #tpu.memory_space<hbm>>
      tpu.enqueue_indirect_dma source(%dma_start3A_22 : memref<10112x64xf32, #tpu.memory_space<hbm>>) target(%arg9 : memref<1024x64xf32, #tpu.memory_space<vmem>>) offsets(%arg7 : memref<1024xi32, #tpu.memory_space<vmem>>) semaphore(%arg11 : memref<!tpu.dma_semaphore, #tpu.memory_space<semaphore_mem>>)
      %dma_wait3A = arith.constant 0 : i32
      %dma_wait3A_23 = arith.constant 0 : i32
      %dma_wait3A_24 = tpu.memref_slice %arg2[%dma_wait3A, %dma_wait3A_23] : memref<10112x64xf32, #tpu.memory_space<hbm>> -> memref<10112x64xf32, #tpu.memory_space<hbm>>
      tpu.wait_indirect_dma semaphore(%arg11 : memref<!tpu.dma_semaphore, #tpu.memory_space<semaphore_mem>>) src(%dma_wait3A_24 : memref<10112x64xf32, #tpu.memory_space<hbm>>) dst(%arg9 : memref<1024x64xf32, #tpu.memory_space<vmem>>)
      "tpu.region"() ({
        %run_scoped3A = tpu.sem_alloc : memref<!tpu.dma_semaphore, #tpu.memory_space<semaphore_mem>>
        %dma_start3A_25 = arith.constant 0 : i32
        %dma_start3A_26 = arith.constant 0 : i32
        %dma_start3A_27 = tpu.memref_slice %arg10[%dma_start3A_25, %dma_start3A_26] : memref<10112x64xf32, #tpu.memory_space<vmem_shared>> -> memref<10112x64xf32, #tpu.memory_space<vmem_shared>>
        tpu.enqueue_indirect_dma source(%arg9 : memref<1024x64xf32, #tpu.memory_space<vmem>>) target(%dma_start3A_27 : memref<10112x64xf32, #tpu.memory_space<vmem_shared>>) offsets(%arg8 : memref<1024xi32, #tpu.memory_space<vmem>>) semaphore(%run_scoped3A : memref<!tpu.dma_semaphore, #tpu.memory_space<semaphore_mem>>) {add = true}
        %dma_wait3A_28 = arith.constant 0 : i32
        %dma_wait3A_29 = arith.constant 0 : i32
        %dma_wait3A_30 = tpu.memref_slice %arg10[%dma_wait3A_28, %dma_wait3A_29] : memref<10112x64xf32, #tpu.memory_space<vmem_shared>> -> memref<10112x64xf32, #tpu.memory_space<vmem_shared>>
        tpu.wait_indirect_dma semaphore(%run_scoped3A : memref<!tpu.dma_semaphore, #tpu.memory_space<semaphore_mem>>) src(%arg9 : memref<1024x64xf32, #tpu.memory_space<vmem>>) dst(%dma_wait3A_30 : memref<10112x64xf32, #tpu.memory_space<vmem_shared>>)
        tpu.yield
      }) : () -> ()
    }
    %scan3A_9 = arith.constant 10 : i32
    %barrier3A_10 = arith.constant 0 : index
    tpu.barrier barrier_id(%barrier3A_10)
    %mul3A_11 = arith.constant 632 : i32
    %mul3A_12 = arith.muli %arg1, %mul3A_11 : i32
    "tpu.region"() ({
      %run_scoped3A = tpu.sem_alloc : memref<!tpu.dma_semaphore, #tpu.memory_space<semaphore_mem>>
      %dma_start3A = arith.constant 0 : i32
      %dma_start3A_15 = arith.constant 0 : i32
      %dma_start3A_16 = tpu.memref_slice %arg9[%dma_start3A, %dma_start3A_15] : memref<1024x64xf32, #tpu.memory_space<vmem>> -> memref<632x64xf32, #tpu.memory_space<vmem>>
      %dma_start3A_17 = arith.constant 0 : i32
      %dma_start3A_18 = tpu.memref_slice %arg10[%mul3A_12, %dma_start3A_17] : memref<10112x64xf32, #tpu.memory_space<vmem_shared>> -> memref<632x64xf32, #tpu.memory_space<vmem_shared>>
      %dma_start3A_19 = arith.constant 0 : i32
      %dma_start3A_20 = arith.constant 0 : i32
      %dma_start3A_21 = tpu.memref_slice %arg9[%dma_start3A_19, %dma_start3A_20] : memref<1024x64xf32, #tpu.memory_space<vmem>> -> memref<632x64xf32, #tpu.memory_space<vmem>>
      %dma_start3A_22 = arith.constant 0 : i32
      %dma_start3A_23 = tpu.memref_slice %arg10[%mul3A_12, %dma_start3A_22] : memref<10112x64xf32, #tpu.memory_space<vmem_shared>> -> memref<632x64xf32, #tpu.memory_space<vmem_shared>>
      tpu.enqueue_dma source(%dma_start3A_23 : memref<632x64xf32, #tpu.memory_space<vmem_shared>>) target(%dma_start3A_21 : memref<632x64xf32, #tpu.memory_space<vmem>>) target_semaphore(%run_scoped3A : memref<!tpu.dma_semaphore, #tpu.memory_space<semaphore_mem>>)
      %dma_wait3A = arith.constant 0 : i32
      %dma_wait3A_24 = arith.constant 0 : i32
      %dma_wait3A_25 = tpu.memref_slice %arg9[%dma_wait3A, %dma_wait3A_24] : memref<1024x64xf32, #tpu.memory_space<vmem>> -> memref<632x64xf32, #tpu.memory_space<vmem>>
      %dma_wait3A_26 = arith.constant 0 : i32
      %dma_wait3A_27 = tpu.memref_slice %arg10[%mul3A_12, %dma_wait3A_26] : memref<10112x64xf32, #tpu.memory_space<vmem_shared>> -> memref<632x64xf32, #tpu.memory_space<vmem_shared>>
      %dma_wait3A_28 = arith.constant 0 : i32
      %dma_wait3A_29 = arith.constant 0 : i32
      %dma_wait3A_30 = tpu.memref_slice %arg9[%dma_wait3A_28, %dma_wait3A_29] : memref<1024x64xf32, #tpu.memory_space<vmem>> -> memref<632x64xf32, #tpu.memory_space<vmem>>
      %dma_wait3A_31 = arith.constant 0 : i32
      %dma_wait3A_32 = tpu.memref_slice %arg10[%mul3A_12, %dma_wait3A_31] : memref<10112x64xf32, #tpu.memory_space<vmem_shared>> -> memref<632x64xf32, #tpu.memory_space<vmem_shared>>
      tpu.wait_dma2 semaphore(%run_scoped3A : memref<!tpu.dma_semaphore, #tpu.memory_space<semaphore_mem>>) src(%dma_wait3A_32 : memref<632x64xf32, #tpu.memory_space<vmem_shared>>) dst(%dma_wait3A_30 : memref<632x64xf32, #tpu.memory_space<vmem>>)
      tpu.yield
    }) : () -> ()
    %mul3A_13 = arith.constant 632 : i32
    %mul3A_14 = arith.muli %arg1, %mul3A_13 : i32
    "tpu.region"() ({
      %run_scoped3A = tpu.sem_alloc : memref<!tpu.dma_semaphore, #tpu.memory_space<semaphore_mem>>
      %dma_start3A = arith.constant 0 : i32
      %dma_start3A_15 = arith.constant 0 : i32
      %dma_start3A_16 = tpu.memref_slice %arg9[%dma_start3A, %dma_start3A_15] : memref<1024x64xf32, #tpu.memory_space<vmem>> -> memref<632x64xf32, #tpu.memory_space<vmem>>
      %dma_start3A_17 = arith.constant 0 : i32
      %dma_start3A_18 = tpu.memref_slice %arg6[%arg0, %mul3A_14, %dma_start3A_17] : memref<2x10112x64xf32, #tpu.memory_space<hbm>> -> memref<1x632x64xf32, #tpu.memory_space<hbm>>
      %dma_start3A_19 = tpu.memref_squeeze %dma_start3A_18 : memref<1x632x64xf32, #tpu.memory_space<hbm>> -> memref<632x64xf32, #tpu.memory_space<hbm>>
      %dma_start3A_20 = arith.constant 0 : i32
      %dma_start3A_21 = tpu.memref_slice %arg6[%arg0, %mul3A_14, %dma_start3A_20] : memref<2x10112x64xf32, #tpu.memory_space<hbm>> -> memref<1x632x64xf32, #tpu.memory_space<hbm>>
      %dma_start3A_22 = tpu.memref_squeeze %dma_start3A_21 : memref<1x632x64xf32, #tpu.memory_space<hbm>> -> memref<632x64xf32, #tpu.memory_space<hbm>>
      %dma_start3A_23 = arith.constant 0 : i32
      %dma_start3A_24 = arith.constant 0 : i32
      %dma_start3A_25 = tpu.memref_slice %arg9[%dma_start3A_23, %dma_start3A_24] : memref<1024x64xf32, #tpu.memory_space<vmem>> -> memref<632x64xf32, #tpu.memory_space<vmem>>
      tpu.enqueue_dma source(%dma_start3A_25 : memref<632x64xf32, #tpu.memory_space<vmem>>) target(%dma_start3A_22 : memref<632x64xf32, #tpu.memory_space<hbm>>) target_semaphore(%run_scoped3A : memref<!tpu.dma_semaphore, #tpu.memory_space<semaphore_mem>>)
      %dma_wait3A = arith.constant 0 : i32
      %dma_wait3A_26 = arith.constant 0 : i32
      %dma_wait3A_27 = tpu.memref_slice %arg9[%dma_wait3A, %dma_wait3A_26] : memref<1024x64xf32, #tpu.memory_space<vmem>> -> memref<632x64xf32, #tpu.memory_space<vmem>>
      %dma_wait3A_28 = arith.constant 0 : i32
      %dma_wait3A_29 = tpu.memref_slice %arg6[%arg0, %mul3A_14, %dma_wait3A_28] : memref<2x10112x64xf32, #tpu.memory_space<hbm>> -> memref<1x632x64xf32, #tpu.memory_space<hbm>>
      %dma_wait3A_30 = tpu.memref_squeeze %dma_wait3A_29 : memref<1x632x64xf32, #tpu.memory_space<hbm>> -> memref<632x64xf32, #tpu.memory_space<hbm>>
      %dma_wait3A_31 = arith.constant 0 : i32
      %dma_wait3A_32 = tpu.memref_slice %arg6[%arg0, %mul3A_14, %dma_wait3A_31] : memref<2x10112x64xf32, #tpu.memory_space<hbm>> -> memref<1x632x64xf32, #tpu.memory_space<hbm>>
      %dma_wait3A_33 = tpu.memref_squeeze %dma_wait3A_32 : memref<1x632x64xf32, #tpu.memory_space<hbm>> -> memref<632x64xf32, #tpu.memory_space<hbm>>
      %dma_wait3A_34 = arith.constant 0 : i32
      %dma_wait3A_35 = arith.constant 0 : i32
      %dma_wait3A_36 = tpu.memref_slice %arg9[%dma_wait3A_34, %dma_wait3A_35] : memref<1024x64xf32, #tpu.memory_space<vmem>> -> memref<632x64xf32, #tpu.memory_space<vmem>>
      tpu.wait_dma2 semaphore(%run_scoped3A : memref<!tpu.dma_semaphore, #tpu.memory_space<semaphore_mem>>) src(%dma_wait3A_36 : memref<632x64xf32, #tpu.memory_space<vmem>>) dst(%dma_wait3A_33 : memref<632x64xf32, #tpu.memory_space<hbm>>)
      tpu.yield
    }) : () -> ()
    return
  }
}

module attributes {stable_mosaic.version = 14 : i64} {
  func.func @_tc_pre_body(%arg0: memref<10112x128xf32, #tpu.memory_space<vmem>>, %arg1: memref<128x64xf32, #tpu.memory_space<vmem>>, %arg2: memref<128x64xf32, #tpu.memory_space<vmem>>, %arg3: memref<1x64xf32, #tpu.memory_space<vmem>>, %arg4: memref<10112x64xf32, #tpu.memory_space<vmem>>, %arg5: memref<10112x64xf32, #tpu.memory_space<vmem>>) attributes {dimension_semantics = [], scalar_prefetch = 0 : i64, scratch_operands = 0 : i64, tpu.core_type = #tpu.core_type<tc>} {
    %get3A = arith.constant 0 : index
    %get3A_0 = arith.constant 0 : index
    %get3A_1 = vector.load %arg0[%get3A, %get3A_0] : memref<10112x128xf32, #tpu.memory_space<vmem>>, vector<10112x128xf32>
    %get3A_2 = arith.constant 0 : index
    %get3A_3 = arith.constant 0 : index
    %get3A_4 = vector.load %arg1[%get3A_2, %get3A_3] : memref<128x64xf32, #tpu.memory_space<vmem>>, vector<128x64xf32>
    %dot_general3A = arith.constant dense<0.000000e+00> : vector<10112x64xf32>
    %dot_general3A_5 = tpu.matmul %get3A_1, %get3A_4, %dot_general3A {dimension_numbers = #tpu.dot_dimension_numbers<[1], [0], [0], [1], [0, 0, 1, 1], [], []>, transpose_lhs_hint = false} : vector<10112x128xf32>, vector<128x64xf32>, vector<10112x64xf32> -> vector<10112x64xf32>
    %swap3A = arith.constant 0 : index
    %swap3A_6 = arith.constant 0 : index
    %swap3A_7 = vector.load %arg4[%swap3A, %swap3A_6] : memref<10112x64xf32, #tpu.memory_space<vmem>>, vector<10112x64xf32>
    tpu.vector_store %arg4[%swap3A, %swap3A_6], %dot_general3A_5 {strides = array<i32>} : memref<10112x64xf32, #tpu.memory_space<vmem>>, vector<10112x64xf32>,
    %get3A_8 = arith.constant 0 : index
    %get3A_9 = arith.constant 0 : index
    %get3A_10 = vector.load %arg2[%get3A_8, %get3A_9] : memref<128x64xf32, #tpu.memory_space<vmem>>, vector<128x64xf32>
    %dot_general3A_11 = arith.constant dense<0.000000e+00> : vector<10112x64xf32>
    %dot_general3A_12 = tpu.matmul %get3A_1, %get3A_10, %dot_general3A_11 {dimension_numbers = #tpu.dot_dimension_numbers<[1], [0], [0], [1], [0, 0, 1, 1], [], []>, transpose_lhs_hint = false} : vector<10112x128xf32>, vector<128x64xf32>, vector<10112x64xf32> -> vector<10112x64xf32>
    %get3A_13 = arith.constant 0 : index
    %get3A_14 = arith.constant 0 : index
    %get3A_15 = vector.load %arg3[%get3A_13, %get3A_14] : memref<1x64xf32, #tpu.memory_space<vmem>>, vector<1x64xf32>
    %add3A = vector.broadcast %get3A_15 : vector<1x64xf32> to vector<10112x64xf32>
    %add3A_16 = arith.addf %dot_general3A_12, %add3A : vector<10112x64xf32>
    %swap3A_17 = arith.constant 0 : index
    %swap3A_18 = arith.constant 0 : index
    %swap3A_19 = vector.load %arg5[%swap3A_17, %swap3A_18] : memref<10112x64xf32, #tpu.memory_space<vmem>>, vector<10112x64xf32>
    tpu.vector_store %arg5[%swap3A_17, %swap3A_18], %add3A_16 {strides = array<i32>} : memref<10112x64xf32, #tpu.memory_space<vmem>>, vector<10112x64xf32>,
    return
  }
}

module attributes {stable_mosaic.version = 14 : i64} {
  func.func @_tc_mid_body(%arg0: memref<2x10112x64xf32, #tpu.memory_space<vmem>>, %arg1: memref<2x10112x8xf32, #tpu.memory_space<vmem>>, %arg2: memref<10112x64xf32, #tpu.memory_space<vmem>>, %arg3: memref<1x64xf32, #tpu.memory_space<vmem>>, %arg4: memref<1x64xf32, #tpu.memory_space<vmem>>, %arg5: memref<64x64xf32, #tpu.memory_space<vmem>>, %arg6: memref<64x64xf32, #tpu.memory_space<vmem>>, %arg7: memref<1x64xf32, #tpu.memory_space<vmem>>, %arg8: memref<10112x64xf32, #tpu.memory_space<vmem>>, %arg9: memref<10112x64xf32, #tpu.memory_space<vmem>>) attributes {dimension_semantics = [], scalar_prefetch = 0 : i64, scratch_operands = 0 : i64, tpu.core_type = #tpu.core_type<tc>} {
    %get3A = arith.constant 0 : index
    %get3A_0 = arith.constant 0 : index
    %get3A_1 = arith.constant 0 : index
    %get3A_2 = vector.load %arg0[%get3A, %get3A_0, %get3A_1] : memref<2x10112x64xf32, #tpu.memory_space<vmem>>, vector<1x10112x64xf32>
    %get3A_3 = vector.shape_cast %get3A_2 : vector<1x10112x64xf32> to vector<10112x64xf32>
    %get3A_4 = arith.constant 1 : index
    %get3A_5 = arith.constant 0 : index
    %get3A_6 = arith.constant 0 : index
    %get3A_7 = vector.load %arg0[%get3A_4, %get3A_5, %get3A_6] : memref<2x10112x64xf32, #tpu.memory_space<vmem>>, vector<1x10112x64xf32>
    %get3A_8 = vector.shape_cast %get3A_7 : vector<1x10112x64xf32> to vector<10112x64xf32>
    %add3A = arith.addf %get3A_3, %get3A_8 : vector<10112x64xf32>
    %get3A_9 = arith.constant 0 : index
    %get3A_10 = arith.constant 0 : index
    %get3A_11 = arith.constant 0 : index
    %get3A_12 = vector.load %arg1[%get3A_9, %get3A_10, %get3A_11] : memref<2x10112x8xf32, #tpu.memory_space<vmem>>, vector<1x10112x1xf32>
    %get3A_13 = vector.shape_cast %get3A_12 : vector<1x10112x1xf32> to vector<10112x1xf32>
    %get3A_14 = arith.constant 1 : index
    %get3A_15 = arith.constant 0 : index
    %get3A_16 = arith.constant 0 : index
    %get3A_17 = vector.load %arg1[%get3A_14, %get3A_15, %get3A_16] : memref<2x10112x8xf32, #tpu.memory_space<vmem>>, vector<1x10112x1xf32>
    %get3A_18 = vector.shape_cast %get3A_17 : vector<1x10112x1xf32> to vector<10112x1xf32>
    %add3A_19 = arith.addf %get3A_13, %get3A_18 : vector<10112x1xf32>
    %max3A = arith.constant 1.000000e+00 : f32
    %max3A_20 = vector.broadcast %max3A : f32 to vector<10112x1xf32>
    %max3A_21 = arith.maximumf %add3A_19, %max3A_20 : vector<10112x1xf32>
    %div3A = vector.broadcast %max3A_21 : vector<10112x1xf32> to vector<10112x64xf32>
    %div3A_22 = arith.divf %add3A, %div3A : vector<10112x64xf32>
    %get3A_23 = arith.constant 0 : index
    %get3A_24 = arith.constant 0 : index
    %get3A_25 = vector.load %arg2[%get3A_23, %get3A_24] : memref<10112x64xf32, #tpu.memory_space<vmem>>, vector<10112x64xf32>
    %add3A_26 = arith.addf %div3A_22, %get3A_25 : vector<10112x64xf32>
    %slice3A = vector.extract_strided_slice %add3A_26 {offsets = [0, 0], sizes = [10000, 64], strides = [1, 1]} : vector<10112x64xf32> to vector<10000x64xf32>
    %reduce_sum3A = arith.constant dense<0.000000e+00> : vector<64xf32>
    %reduce_sum3A_27 = vector.multi_reduction <add>, %slice3A, %reduce_sum3A [0] : vector<10000x64xf32> to vector<64xf32>
    %broadcast_in_dim3A = vector.shape_cast %reduce_sum3A_27 : vector<64xf32> to vector<1x64xf32>
    %div3A_28 = arith.constant 1.000000e+04 : f32
    %div3A_29 = vector.broadcast %div3A_28 : f32 to vector<1x64xf32>
    %div3A_30 = arith.divf %broadcast_in_dim3A, %div3A_29 : vector<1x64xf32>
    %sub3A = vector.broadcast %div3A_30 : vector<1x64xf32> to vector<10000x64xf32>
    %sub3A_31 = arith.subf %slice3A, %sub3A : vector<10000x64xf32>
    %square3A = arith.mulf %sub3A_31, %sub3A_31 : vector<10000x64xf32>
    %reduce_sum3A_32 = arith.constant dense<0.000000e+00> : vector<64xf32>
    %reduce_sum3A_33 = vector.multi_reduction <add>, %square3A, %reduce_sum3A_32 [0] : vector<10000x64xf32> to vector<64xf32>
    %broadcast_in_dim3A_34 = vector.shape_cast %reduce_sum3A_33 : vector<64xf32> to vector<1x64xf32>
    %div3A_35 = arith.constant 1.000000e+04 : f32
    %div3A_36 = vector.broadcast %div3A_35 : f32 to vector<1x64xf32>
    %div3A_37 = arith.divf %broadcast_in_dim3A_34, %div3A_36 : vector<1x64xf32>
    %sub3A_38 = vector.broadcast %div3A_30 : vector<1x64xf32> to vector<10112x64xf32>
    %sub3A_39 = arith.subf %add3A_26, %sub3A_38 : vector<10112x64xf32>
    %get3A_40 = arith.constant 0 : index
    %get3A_41 = arith.constant 0 : index
    %get3A_42 = vector.load %arg3[%get3A_40, %get3A_41] : memref<1x64xf32, #tpu.memory_space<vmem>>, vector<1x64xf32>
    %add3A_43 = arith.constant 9.99999974E-6 : f32
    %add3A_44 = vector.broadcast %add3A_43 : f32 to vector<1x64xf32>
    %add3A_45 = arith.addf %div3A_37, %add3A_44 : vector<1x64xf32>
    %rsqrt3A = math.rsqrt %add3A_45 : vector<1x64xf32>
    %mul3A = arith.mulf %get3A_42, %rsqrt3A : vector<1x64xf32>
    %mul3A_46 = vector.broadcast %mul3A : vector<1x64xf32> to vector<10112x64xf32>
    %mul3A_47 = arith.mulf %sub3A_39, %mul3A_46 : vector<10112x64xf32>
    %get3A_48 = arith.constant 0 : index
    %get3A_49 = arith.constant 0 : index
    %get3A_50 = vector.load %arg4[%get3A_48, %get3A_49] : memref<1x64xf32, #tpu.memory_space<vmem>>, vector<1x64xf32>
    %add3A_51 = vector.broadcast %get3A_50 : vector<1x64xf32> to vector<10112x64xf32>
    %add3A_52 = arith.addf %mul3A_47, %add3A_51 : vector<10112x64xf32>
    %max3A_53 = arith.constant 0.000000e+00 : f32
    %max3A_54 = vector.broadcast %max3A_53 : f32 to vector<10112x64xf32>
    %max3A_55 = arith.maximumf %add3A_52, %max3A_54 : vector<10112x64xf32>
    %get3A_56 = arith.constant 0 : index
    %get3A_57 = arith.constant 0 : index
    %get3A_58 = vector.load %arg5[%get3A_56, %get3A_57] : memref<64x64xf32, #tpu.memory_space<vmem>>, vector<64x64xf32>
    %dot_general3A = arith.constant dense<0.000000e+00> : vector<10112x64xf32>
    %dot_general3A_59 = tpu.matmul %max3A_55, %get3A_58, %dot_general3A {dimension_numbers = #tpu.dot_dimension_numbers<[1], [0], [0], [1], [0, 0, 1, 1], [], []>, transpose_lhs_hint = false} : vector<10112x64xf32>, vector<64x64xf32>, vector<10112x64xf32> -> vector<10112x64xf32>
    %swap3A = arith.constant 0 : index
    %swap3A_60 = arith.constant 0 : index
    %swap3A_61 = vector.load %arg8[%swap3A, %swap3A_60] : memref<10112x64xf32, #tpu.memory_space<vmem>>, vector<10112x64xf32>
    tpu.vector_store %arg8[%swap3A, %swap3A_60], %dot_general3A_59 {strides = array<i32>} : memref<10112x64xf32, #tpu.memory_space<vmem>>, vector<10112x64xf32>,
    %get3A_62 = arith.constant 0 : index
    %get3A_63 = arith.constant 0 : index
    %get3A_64 = vector.load %arg6[%get3A_62, %get3A_63] : memref<64x64xf32, #tpu.memory_space<vmem>>, vector<64x64xf32>
    %dot_general3A_65 = arith.constant dense<0.000000e+00> : vector<10112x64xf32>
    %dot_general3A_66 = tpu.matmul %max3A_55, %get3A_64, %dot_general3A_65 {dimension_numbers = #tpu.dot_dimension_numbers<[1], [0], [0], [1], [0, 0, 1, 1], [], []>, transpose_lhs_hint = false} : vector<10112x64xf32>, vector<64x64xf32>, vector<10112x64xf32> -> vector<10112x64xf32>
    %get3A_67 = arith.constant 0 : index
    %get3A_68 = arith.constant 0 : index
    %get3A_69 = vector.load %arg7[%get3A_67, %get3A_68] : memref<1x64xf32, #tpu.memory_space<vmem>>, vector<1x64xf32>
    %add3A_70 = vector.broadcast %get3A_69 : vector<1x64xf32> to vector<10112x64xf32>
    %add3A_71 = arith.addf %dot_general3A_66, %add3A_70 : vector<10112x64xf32>
    %swap3A_72 = arith.constant 0 : index
    %swap3A_73 = arith.constant 0 : index
    %swap3A_74 = vector.load %arg9[%swap3A_72, %swap3A_73] : memref<10112x64xf32, #tpu.memory_space<vmem>>, vector<10112x64xf32>
    tpu.vector_store %arg9[%swap3A_72, %swap3A_73], %add3A_71 {strides = array<i32>} : memref<10112x64xf32, #tpu.memory_space<vmem>>, vector<10112x64xf32>,
    return
  }
}

module attributes {stable_mosaic.version = 14 : i64} {
  func.func @_tc_fin_body(%arg0: memref<2x10112x64xf32, #tpu.memory_space<vmem>>, %arg1: memref<2x10112x8xf32, #tpu.memory_space<vmem>>, %arg2: memref<10112x64xf32, #tpu.memory_space<vmem>>, %arg3: memref<1x64xf32, #tpu.memory_space<vmem>>, %arg4: memref<1x64xf32, #tpu.memory_space<vmem>>, %arg5: memref<64x32xf32, #tpu.memory_space<vmem>>, %arg6: memref<1x32xf32, #tpu.memory_space<vmem>>, %arg7: memref<32x8xf32, #tpu.memory_space<vmem>>, %arg8: memref<1x8xf32, #tpu.memory_space<vmem>>, %arg9: memref<10112x8xf32, #tpu.memory_space<vmem>>) attributes {dimension_semantics = [], scalar_prefetch = 0 : i64, scratch_operands = 0 : i64, tpu.core_type = #tpu.core_type<tc>} {
    %get3A = arith.constant 0 : index
    %get3A_0 = arith.constant 0 : index
    %get3A_1 = arith.constant 0 : index
    %get3A_2 = vector.load %arg0[%get3A, %get3A_0, %get3A_1] : memref<2x10112x64xf32, #tpu.memory_space<vmem>>, vector<1x10112x64xf32>
    %get3A_3 = vector.shape_cast %get3A_2 : vector<1x10112x64xf32> to vector<10112x64xf32>
    %get3A_4 = arith.constant 1 : index
    %get3A_5 = arith.constant 0 : index
    %get3A_6 = arith.constant 0 : index
    %get3A_7 = vector.load %arg0[%get3A_4, %get3A_5, %get3A_6] : memref<2x10112x64xf32, #tpu.memory_space<vmem>>, vector<1x10112x64xf32>
    %get3A_8 = vector.shape_cast %get3A_7 : vector<1x10112x64xf32> to vector<10112x64xf32>
    %add3A = arith.addf %get3A_3, %get3A_8 : vector<10112x64xf32>
    %get3A_9 = arith.constant 0 : index
    %get3A_10 = arith.constant 0 : index
    %get3A_11 = arith.constant 0 : index
    %get3A_12 = vector.load %arg1[%get3A_9, %get3A_10, %get3A_11] : memref<2x10112x8xf32, #tpu.memory_space<vmem>>, vector<1x10112x1xf32>
    %get3A_13 = vector.shape_cast %get3A_12 : vector<1x10112x1xf32> to vector<10112x1xf32>
    %get3A_14 = arith.constant 1 : index
    %get3A_15 = arith.constant 0 : index
    %get3A_16 = arith.constant 0 : index
    %get3A_17 = vector.load %arg1[%get3A_14, %get3A_15, %get3A_16] : memref<2x10112x8xf32, #tpu.memory_space<vmem>>, vector<1x10112x1xf32>
    %get3A_18 = vector.shape_cast %get3A_17 : vector<1x10112x1xf32> to vector<10112x1xf32>
    %add3A_19 = arith.addf %get3A_13, %get3A_18 : vector<10112x1xf32>
    %max3A = arith.constant 1.000000e+00 : f32
    %max3A_20 = vector.broadcast %max3A : f32 to vector<10112x1xf32>
    %max3A_21 = arith.maximumf %add3A_19, %max3A_20 : vector<10112x1xf32>
    %div3A = vector.broadcast %max3A_21 : vector<10112x1xf32> to vector<10112x64xf32>
    %div3A_22 = arith.divf %add3A, %div3A : vector<10112x64xf32>
    %get3A_23 = arith.constant 0 : index
    %get3A_24 = arith.constant 0 : index
    %get3A_25 = vector.load %arg2[%get3A_23, %get3A_24] : memref<10112x64xf32, #tpu.memory_space<vmem>>, vector<10112x64xf32>
    %add3A_26 = arith.addf %div3A_22, %get3A_25 : vector<10112x64xf32>
    %slice3A = vector.extract_strided_slice %add3A_26 {offsets = [0, 0], sizes = [10000, 64], strides = [1, 1]} : vector<10112x64xf32> to vector<10000x64xf32>
    %reduce_sum3A = arith.constant dense<0.000000e+00> : vector<64xf32>
    %reduce_sum3A_27 = vector.multi_reduction <add>, %slice3A, %reduce_sum3A [0] : vector<10000x64xf32> to vector<64xf32>
    %broadcast_in_dim3A = vector.shape_cast %reduce_sum3A_27 : vector<64xf32> to vector<1x64xf32>
    %div3A_28 = arith.constant 1.000000e+04 : f32
    %div3A_29 = vector.broadcast %div3A_28 : f32 to vector<1x64xf32>
    %div3A_30 = arith.divf %broadcast_in_dim3A, %div3A_29 : vector<1x64xf32>
    %sub3A = vector.broadcast %div3A_30 : vector<1x64xf32> to vector<10000x64xf32>
    %sub3A_31 = arith.subf %slice3A, %sub3A : vector<10000x64xf32>
    %square3A = arith.mulf %sub3A_31, %sub3A_31 : vector<10000x64xf32>
    %reduce_sum3A_32 = arith.constant dense<0.000000e+00> : vector<64xf32>
    %reduce_sum3A_33 = vector.multi_reduction <add>, %square3A, %reduce_sum3A_32 [0] : vector<10000x64xf32> to vector<64xf32>
    %broadcast_in_dim3A_34 = vector.shape_cast %reduce_sum3A_33 : vector<64xf32> to vector<1x64xf32>
    %div3A_35 = arith.constant 1.000000e+04 : f32
    %div3A_36 = vector.broadcast %div3A_35 : f32 to vector<1x64xf32>
    %div3A_37 = arith.divf %broadcast_in_dim3A_34, %div3A_36 : vector<1x64xf32>
    %sub3A_38 = vector.broadcast %div3A_30 : vector<1x64xf32> to vector<10112x64xf32>
    %sub3A_39 = arith.subf %add3A_26, %sub3A_38 : vector<10112x64xf32>
    %get3A_40 = arith.constant 0 : index
    %get3A_41 = arith.constant 0 : index
    %get3A_42 = vector.load %arg3[%get3A_40, %get3A_41] : memref<1x64xf32, #tpu.memory_space<vmem>>, vector<1x64xf32>
    %add3A_43 = arith.constant 9.99999974E-6 : f32
    %add3A_44 = vector.broadcast %add3A_43 : f32 to vector<1x64xf32>
    %add3A_45 = arith.addf %div3A_37, %add3A_44 : vector<1x64xf32>
    %rsqrt3A = math.rsqrt %add3A_45 : vector<1x64xf32>
    %mul3A = arith.mulf %get3A_42, %rsqrt3A : vector<1x64xf32>
    %mul3A_46 = vector.broadcast %mul3A : vector<1x64xf32> to vector<10112x64xf32>
    %mul3A_47 = arith.mulf %sub3A_39, %mul3A_46 : vector<10112x64xf32>
    %get3A_48 = arith.constant 0 : index
    %get3A_49 = arith.constant 0 : index
    %get3A_50 = vector.load %arg4[%get3A_48, %get3A_49] : memref<1x64xf32, #tpu.memory_space<vmem>>, vector<1x64xf32>
    %add3A_51 = vector.broadcast %get3A_50 : vector<1x64xf32> to vector<10112x64xf32>
    %add3A_52 = arith.addf %mul3A_47, %add3A_51 : vector<10112x64xf32>
    %max3A_53 = arith.constant 0.000000e+00 : f32
    %max3A_54 = vector.broadcast %max3A_53 : f32 to vector<10112x64xf32>
    %max3A_55 = arith.maximumf %add3A_52, %max3A_54 : vector<10112x64xf32>
    %get3A_56 = arith.constant 0 : index
    %get3A_57 = arith.constant 0 : index
    %get3A_58 = vector.load %arg5[%get3A_56, %get3A_57] : memref<64x32xf32, #tpu.memory_space<vmem>>, vector<64x32xf32>
    %dot_general3A = arith.constant dense<0.000000e+00> : vector<10112x32xf32>
    %dot_general3A_59 = tpu.matmul %max3A_55, %get3A_58, %dot_general3A {dimension_numbers = #tpu.dot_dimension_numbers<[1], [0], [0], [1], [0, 0, 1, 1], [], []>, transpose_lhs_hint = false} : vector<10112x64xf32>, vector<64x32xf32>, vector<10112x32xf32> -> vector<10112x32xf32>
    %get3A_60 = arith.constant 0 : index
    %get3A_61 = arith.constant 0 : index
    %get3A_62 = vector.load %arg6[%get3A_60, %get3A_61] : memref<1x32xf32, #tpu.memory_space<vmem>>, vector<1x32xf32>
    %add3A_63 = vector.broadcast %get3A_62 : vector<1x32xf32> to vector<10112x32xf32>
    %add3A_64 = arith.addf %dot_general3A_59, %add3A_63 : vector<10112x32xf32>
    %max3A_65 = arith.constant 0.000000e+00 : f32
    %max3A_66 = vector.broadcast %max3A_65 : f32 to vector<10112x32xf32>
    %max3A_67 = arith.maximumf %add3A_64, %max3A_66 : vector<10112x32xf32>
    %get3A_68 = arith.constant 0 : index
    %get3A_69 = arith.constant 0 : index
    %get3A_70 = vector.load %arg7[%get3A_68, %get3A_69] : memref<32x8xf32, #tpu.memory_space<vmem>>, vector<32x8xf32>
    %dot_general3A_71 = arith.constant dense<0.000000e+00> : vector<10112x8xf32>
    %dot_general3A_72 = tpu.matmul %max3A_67, %get3A_70, %dot_general3A_71 {dimension_numbers = #tpu.dot_dimension_numbers<[1], [0], [0], [1], [0, 0, 1, 1], [], []>, transpose_lhs_hint = false} : vector<10112x32xf32>, vector<32x8xf32>, vector<10112x8xf32> -> vector<10112x8xf32>
    %get3A_73 = arith.constant 0 : index
    %get3A_74 = arith.constant 0 : index
    %get3A_75 = vector.load %arg8[%get3A_73, %get3A_74] : memref<1x8xf32, #tpu.memory_space<vmem>>, vector<1x8xf32>
    %add3A_76 = vector.broadcast %get3A_75 : vector<1x8xf32> to vector<10112x8xf32>
    %add3A_77 = arith.addf %dot_general3A_72, %add3A_76 : vector<10112x8xf32>
    %swap3A = arith.constant 0 : index
    %swap3A_78 = arith.constant 0 : index
    %swap3A_79 = vector.load %arg9[%swap3A, %swap3A_78] : memref<10112x8xf32, #tpu.memory_space<vmem>>, vector<10112x8xf32>
    tpu.vector_store %arg9[%swap3A, %swap3A_78], %add3A_77 {strides = array<i32>} : memref<10112x8xf32, #tpu.memory_space<vmem>>, vector<10112x8xf32>,
    return
  }
}

</mosaic_0001>

<sc_bundles>
// kernel: kernel.12.cloned.1.call-start
scs
__scs_entry_jumppad:
0x0: {  	(pc) =	sbr.rel $0x88, $3  }
0x1: {  	(tag) =	ssettag $0x0;
	lr =	simm.s32 $0x1  }
0x2: {  	[smem:$0x3F8C] =	sst lr;
	_ =	strace $0xD0000000  }
0x3: {  	_ = 	snop  }
0x4: {  	_ = 	snop  }
0x5: {  	_ = 	snop  }
0x6: {  	_ = 	snop  }
0x7: {  	_ = 	snop  }
__scs_overlays_trampoline_lowered:
0x8: {  	[smem:$0x3F9B] =	sst s0  }
0x9: {  	[smem:$0x3F9C] =	sst s1  }
0xa: {  	[smem:$0x3F9D] =	sst s2  }
0xb: {  	[smem:$0x3F9E] =	sst s3  }
0xc: {  	[smem:$0x3F9F] =	sst s4  }
0xd: {  	[smem:$0x3FA0] =	sst s5  }
0xe: {  	[smem:$0x3FA1] =	sst s6  }
0xf: {  	[smem:$0x3FA2] =	sst s7  }
0x10: {  	[smem:$0x3FA3] =	sst s8  }
0x11: {  	[smem:$0x3FA4] =	sst s9;
	s0 =	simm.s32 @!p0 $0x0  }
0x12: {  	s1 =	sld [smem:$0x3F8A];
	s0 =	simm.s32 @p0 $0x1  }
0x13: {  	[smem:$0x3FA5] =	sst s0;
	s0 =	simm.s32 @!p1 $0x0  }
0x14: {  	s2 =	sld [smem:$0x3F89];
	s0 =	simm.s32 @p1 $0x1  }
0x15: {  	[smem:$0x3FA6] =	sst s0;
	s0 =	simm.s32 @!p2 $0x0  }
0x16: {  	s3 =	sld [smem:$0x3FDB];
	s0 =	simm.s32 @p2 $0x1  }
0x17: {  	s4 =	simm.s32 $0x1BF5;
	[smem:$0x3FA8] =	sst s0  }
0x18: {  	s0 =	sld [smem:$0x3F8B];
	_ =	swait.ge [sflag:s4], $0x0  }
0x19: {  	s7 =	sld [smem:$0x3F8C]  }
0x1a: {  	s8 =	sadd.s32 $0xFFFFE003, lr  }
0x1b: {  	s9 =	sadd.s32 $0xFFFFFEF7, lr;
	s5 =	simm.s32 $0xFFFFFFFF;
	p2 =	slt.u32 s8, $0xFFFFF086  }
0x1c: {  	p1 =	slt.u32 s9, $0xF7A;
	s5 =	simm.s32 @!p2 $0x0  }
0x1d: {  	s5 =	simm.s32 @p1 $0x1;
	p0 =	seq.s32 s7, s2  }
0x1e: {  	s7 =	smul.u32 @!p0 $0xF7A, s2;
	p2 =	seq.s32 @!p0 s5, $0x0  }
0x1f: {  	s9 =	smul.u32 $0xF7A, s1;
	s8 =	simm.s32 @!p0 $0x1BF5;
	p2 =	por !p2, p0  }
0x20: {  	[sflag:s8] =	ssyncset.s32 @!p0 $0xFFFFF086;
	s6 =	sadd.s32 @!p0 s3, s7;
	s7 =	simm.s32 @!p0 $0x108  }
0x21: {  	s3 =	sadd.s32 s3, s9;
	s6 =	sadd.s32 @!p0 $0x88, s6;
	s7 =	simm.s32 @p2 $0x1082  }
0x22: {  	[simem:s7], [sflag:s8] =	dma.local @!p0 [hbm:s6], $0xF7A  }
0x23: {  	s9 =	sor.u32 $0xD0000000, s2;
	s6 =	simm.s32 $0x108;
	_ =	swait.ge @!p0 [sflag:s8], $0x0  }
0x24: {  	s3 =	sadd.s32 $0x88, s3;
	s6 =	simm.s32 @!p1 $0x1082;
	[sflag:s4] =	ssyncset.s32 $0xFFFFF086  }
0x25: {  	[simem:s6], [sflag:s4] =	dma.local [hbm:s3], $0xF7A  }
0x26: {  	[smem:$0x3F8C] =	sst s1;
	(tag) =	ssettag s2;
	_ =	strace s9  }
0x27: {  	s1 =	sld [smem:$0x3F9C]  }
0x28: {  	s2 =	sld [smem:$0x3F9D]  }
0x29: {  	s4 =	sld [smem:$0x3F9F]  }
0x2a: {  	p0 =	seq.s32 s5, $0x0;
	s5 =	sld [smem:$0x3FA0]  }
0x2b: {  	s6 =	sld [smem:$0x3FA1]  }
0x2c: {  	s7 =	sld [smem:$0x3FA2]  }
0x2d: {  	s3 =	simm.s32 $0x108;
	s8 =	sld [smem:$0x3FA3]  }
0x2e: {  	s3 =	simm.s32 @!p0 $0x1082;
	s9 =	sld [smem:$0x3FA4]  }
0x2f: {  	lr =	sadd.s32 s0, s3;
	s0 =	sld [smem:$0x3F9B]  }
0x30: {  	s3 =	sld [smem:$0x3F9E]  }
0x31: {  	[smem:$0x3FA7] =	sst s10  }
0x32: {  	s10 =	sld [smem:$0x3FA5];
	_ =	sdelay $0x3  }
0x33: {  	p0 =	seq.s32 s10, $0x1;
	s10 =	sld [smem:$0x3FA7];
	_ =	sdelay $0x3  }
0x34: {  	[smem:$0x3FA7] =	sst s10  }
0x35: {  	s10 =	sld [smem:$0x3FA6];
	_ =	sdelay $0x3  }
0x36: {  	p1 =	seq.s32 s10, $0x1;
	s10 =	sld [smem:$0x3FA7];
	_ =	sdelay $0x3  }
0x37: {  	[smem:$0x3FA7] =	sst s10  }
0x38: {  	s10 =	sld [smem:$0x3FA8]  }
0x39: {  	_ = 	snop;
	(pc) =	sbr.ind lr, $3  }
0x3a: {  	_ = 	snop  }
0x3b: {  	_ = 	snop  }
0x3c: {  	p2 =	seq.s32 s10, $0x1;
	s10 =	sld [smem:$0x3FA7]  }
0x3d: {  	_ =	shalt  }
0x3e: {  	_ =	shalt  }
0x3f: {  	_ =	shalt  }
0x40: {  	_ =	shalt  }
0x41: {  	_ =	shalt  }
0x42: {  	_ =	shalt  }
0x43: {  	_ =	shalt  }
0x44: {  	_ =	shalt  }
0x45: {  	_ =	shalt  }
0x46: {  	_ =	shalt  }
0x47: {  	_ =	shalt  }
0x48: {  	_ =	shalt  }
0x49: {  	_ =	shalt  }
0x4a: {  	_ =	shalt  }
0x4b: {  	_ =	shalt  }
0x4c: {  	_ =	shalt  }
0x4d: {  	_ =	shalt  }
0x4e: {  	_ =	shalt  }
0x4f: {  	_ =	shalt  }
0x50: {  	_ =	shalt  }
0x51: {  	_ =	shalt  }
0x52: {  	_ =	shalt  }
0x53: {  	_ =	shalt  }
0x54: {  	_ =	shalt  }
0x55: {  	_ =	shalt  }
0x56: {  	_ =	shalt  }
0x57: {  	_ =	shalt  }
0x58: {  	_ =	shalt  }
0x59: {  	_ =	shalt  }
0x5a: {  	_ =	shalt  }
0x5b: {  	_ =	shalt  }
0x5c: {  	_ =	shalt  }
0x5d: {  	_ =	shalt  }
0x5e: {  	_ =	shalt  }
0x5f: {  	_ =	shalt  }
0x60: {  	_ =	shalt  }
0x61: {  	_ =	shalt  }
0x62: {  	_ =	shalt  }
0x63: {  	_ =	shalt  }
0x64: {  	_ =	shalt  }
0x65: {  	_ =	shalt  }
0x66: {  	_ =	shalt  }
0x67: {  	_ =	shalt  }
0x68: {  	_ =	shalt  }
0x69: {  	_ =	shalt  }
0x6a: {  	_ =	shalt  }
0x6b: {  	_ =	shalt  }
0x6c: {  	_ =	shalt  }
0x6d: {  	_ =	shalt  }
0x6e: {  	_ =	shalt  }
0x6f: {  	_ =	shalt  }
0x70: {  	_ =	shalt  }
0x71: {  	_ =	shalt  }
0x72: {  	_ =	shalt  }
0x73: {  	_ =	shalt  }
0x74: {  	_ =	shalt  }
0x75: {  	_ =	shalt  }
0x76: {  	_ =	shalt  }
0x77: {  	_ =	shalt  }
0x78: {  	_ =	shalt  }
0x79: {  	_ =	shalt  }
0x7a: {  	_ =	shalt  }
0x7b: {  	_ =	shalt  }
0x7c: {  	_ =	shalt  }
0x7d: {  	_ =	shalt  }
0x7e: {  	_ =	shalt  }
0x7f: {  	_ =	shalt  }
0x80: {  	_ =	shalt  }
0x81: {  	_ =	shalt  }
0x82: {  	_ =	shalt  }
0x83: {  	_ =	shalt  }
0x84: {  	_ =	shalt  }
0x85: {  	_ =	shalt  }
0x86: {  	_ =	shalt  }
0x87: {  	_ =	shalt  }
.Lfunc_end0:
.L_simem_size_0:
called_computation.1_lowered:
.L_overlay_start_0:
0x88: {  	s2 =	sld [smem:$0x3FD9]  }
0x89: {  	s3 =	sld [smem:$0x3FFE];
	_ =	sdelay $0x1  }
0x8a: {  	s1 =	srdreg.scid  }
0x8b: {  	s0 =	sand.u32 $0x1, s1  }
0x8c: {  	s16 =	sshll.u32 s0, $0xA;
	s2 =	sadd.s32 s3, s2  }
0x8d: {  	s2 =	sadd.s32 s2, s16  }
0x8e: {  	[smem:$0x3FB3] =	sst s2  }
0x8f: {  	_ = 	snop  }
0x90: {  	(tm) =	ssettm $0x1  }
0x91: {  	s17 =	sld [smem:$0x3FFB];
	_ =	sdelay $0x3  }
0x92: {  	_ =	strace s17  }
0x93: {  	s2 =	sld [smem:$0x3FFC];
	_ =	sdelay $0x3  }
0x94: {  	_ =	strace s2  }
0x95: {  	s2 =	sld [smem:$0x3FFD];
	_ =	sdelay $0x3  }
0x96: {  	_ =	strace s2  }
0x97: {  	_ =	strace $0x8FFFFFFF  }
0x98: {  	s18 =	sld [smem:$0x3FDB];
	_ =	sdelay $0x1  }
0x99: {  	s19 =	simm.s32 $_scs_section_size  }
0x9a: {  	s4 =	simm.s32 $_size__tile_overlayer_lowered;
	s5 =	simm.s32 $_tile_overlayer_lowered  }
0x9b: {  	s22 =	simm.s32 $0x1BFF;
	s21 =	sshll.u32 s5, $0x1;
	s2 =	sadd.s32 s19, s18  }
0x9c: {  	s6 =	simm.s32 $0x0;
	s20 =	sshll.u32 s4, $0x1;
	s4 =	sadd.s32 s21, s2  }
0x9d: {  	[timem:s6], [sflag:s22] =	dma.local [hbm:s4], s20  }
0x9e: {  	_ =	swait.ge [sflag:s22], s20  }
0x9f: {  	s3 =	ssub.s32 $0x0, s20;
	[sflag:s22] =	ssyncset.done $0x0  }
0xa0: {  	[sflag:s22] =	ssyncadd.s32 s3;
	_ =	sdelay $0x1  }
0xa1: {  	s23 =	simm.s32 $0x1B8B  }
0xa2: {  	_ =	swait.ge [sflag:s23], $0x1  }
0xa3: {  	[sflag:s23] =	ssyncset.done $0x0  }
0xa4: {  	s25 =	simm.s32 $0x1B8E;
	s24 =	sld [smem:$0x3FFE];
	[sflag:s23] =	ssyncadd.s32 $0xFFFFFFFF  }
0xa5: {  	s26 =	simm.s32 $execute0_lowered;
	[smem:$0x3FD2] =	sst s25  }
0xa6: {  	s4 =	sshll.u32 s26, $0x1;
	_ =	strace $0x80000049;
	[dreg:$0x1] =	wrdreg $0xFFFFFFFF  }
0xa7: {  	s28 =	simm.s32 $_size_execute0_lowered;
	s2 =	sadd.s32 s2, s4;
	[dreg:$0x0] =	wrdreg $0x0  }
0xa8: {  	s4 =	sshll.u32 s28, $0x1;
	[dreg:$0x2] =	wrdreg s2  }
0xa9: {  	[dreg:$0x3] =	wrdreg s4  }
0xaa: {  	[dreg:$0x4] =	wrdreg $0xC0  }
0xab: {  	_ =	task [dreg:s6], $0x5FFFF  }
0xac: {  	[dreg:$0x1] =	wrdreg $0xFFFFFFFF  }
0xad: {  	[dreg:$0x0] =	wrdreg $0x60  }
0xae: {  	[dreg:$0x2] =	wrdreg s24  }
0xaf: {  	[dreg:$0x3] =	wrdreg $0x108000  }
0xb0: {  	[dreg:$0x4] =	wrdreg $0x9  }
0xb1: {  	_ =	task.clear_ibuf [dreg:s6], $0x5FFFF;
	_ =	strace $0x90000049  }
0xb2: {  	s29 =	simm.s32 $0x9;
	_ =	strace $0x8000004B  }
0xb3: {  	_ =	swait.ge [sflag:s29], $0x1  }
0xb4: {  	[sflag:s29] =	ssyncadd.s32 $0xFFFFFFFF  }
0xb5: {  	_ =	strace $0x9000004B  }
0xb6: {  	_ =	sfence  }
0xb7: {  	s30 =	sld [smem:$0x0];
	_ =	sdelay $0x2  }
0xb8: {  	s31 =	sshll.u32 s1, $0xD;
	s1 =	sshrl.u32 s1, $0x2  }
0xb9: {  	s3 =	sand.u32 $0x4000, s31;
	s1 =	sadd.s32 s1, s30  }
0xba: {  	s0 =	sor.u32 s3, s0;
	s1 =	sshll.u32 s1, $0x11  }
0xbb: {  	s0 =	sor.u32 s1, s0  }
0xbc: {  	s0 =	sadd.s32 $0x8F2B, s0  }
0xbd: {  	[sflag:s0] =	ssyncadd.remote.s32 $0x1  }
0xbe: {  	_ =	sfence.sel $0xFFFF  }
0xbf: {  	[dreg:$0x0] =	wrdreg $0xFFFFFFFF;
	(pc) =	sbr.abs _section_cstart, $3  }
0xc0: {  	[dreg:$0x1] =	wrdreg $0xFFFFFFFF  }
0xc1: {  	_ =	task.clear_ibuf [dreg:s6], $0x2FFFF;
	_ =	strace $0x9FFFFFFF  }
0xc2: {  	(tm) =	ssettm $0x7FFFFFFF  }
0xc3: {  	_ =	shalt  }
tec
execute0_lowered:
.L_overlay_start_1:
0x0: {  	(tag) =	ssettag $0x1  }
0x1: {  	s5 =	rddreg [dreg:$0x0]  }
0x2: {  	s2 =	rddreg [dreg:$0x1]  }
0x3: {  	s0 =	rddreg [dreg:$0x2]  }
0x4: {  	s1 =	stileid.u32;
	s4 =	srdreg.scid  }
0x5: {  	s3 =	simm.s32 $0x0;
	s13 =	simm.s32 $0x400;
	s6 =	smul.u32 $0xA00, s1  }
0x6: {  	s14 =	simm.s32 $0x1;
	s15 =	simm.s32 $0x0;
	s7 =	smul.u32 $0x9E00, s1  }
0x7: {  	s8 =	sand.u32 $0x1, s4;
	[smem:$0x7FF] =	sst s3;
	s4 =	sadd.s32 $0x17000, s5  }
0x8: {  	s9 =	smul.u32 $0x9E000, s8;
	_ =	strace $0x8000004A;
	s11 =	ssub.s32 $0x2, s8  }
0x9: {  	s8 =	smul.u32 $0x500, s8;
	s10 =	sadd.s32 s6, s5;
	s31 =	sshrl.u32 s7, $0x3  }
0xa: {  	s12 =	sshrl.u32 s11, $0x1;
	s9 =	sadd.s32 s7, s9;
	s6 =	sadd.s32 s31, s5  }
0xb: {  	s11 =	ssub.s32 s11, s12;
	s10 =	sadd.s32 s8, s10;
	s12 =	simm.s32 $0x2  }
0xc: {  	s9 =	sshrl.u32 s9, $0x3;
	s8 =	smax.u32 s11, $0x1;
	s11 =	simm.s32 $0x800  }
0xd: {  	s9 =	sadd.s32 s9, s5;
	s5 =	sadd.s32 $0x2AC00, s6;
	s6 =	sadd.s32 s7, s2  }
0xe: {  	s7 =	sadd.s32 $0x3E800, s9;
	s9 =	sadd.s32 $0x3000, s10;
	s10 =	sadd.s32 $0xD000, s10  }
.LBB2_1:
0xf: {  	[tilespmem:s11], [sflag:$0x2] =	stream.linear.gather [hbm4b:s5+s3], $0x9E00, $0x38;
	[tilespmem:$0x1A600] =	vst v63  }
0x10: {  	_ =	swait.ge [sflag:s12], $0x9E00  }
0x11: {  	[sflag:s12] =	ssyncset.done $0x0  }
0x12: {  	[sflag:s12] =	ssyncadd.s32 $0xFFFF6200  }
0x13: {  	[spmem:s6] =	stream.linear.scatter [tilespmem:s11], [sflag:$0x2], $0x9E00, $0x38;
	[tilespmem:$0x1A600] =	vst v63  }
0x14: {  	_ =	swait.ge [sflag:s12], $0x9E00  }
0x15: {  	[sflag:s12] =	ssyncset.done $0x0  }
0x16: {  	[sflag:s12] =	ssyncadd.s32 $0xFFFF6200  }
0x17: {  	s16 =	sadd.s32 $0x0, s10;
	[bflag:$0x0] =	sbarrier.arrive $0xFFFF  }
0x18: {  	[tilespmem:s3], [sflag:$0x2] =	stream.linear.gather [hbm4b:s16+s3], $0x400, $0x38;
	[tilespmem:$0x1A600] =	vst v63  }
0x19: {  	_ =	swait.ge [sflag:s12], $0x400  }
0x1a: {  	[sflag:s12] =	ssyncset.done $0x0  }
0x1b: {  	s31 =	sadd.s32 $0x0, s9;
	[sflag:s12] =	ssyncadd.s32 $0xFFFFFC00  }
0x1c: {  	[tilespmem:s13], [sflag:$0x2] =	stream.linear.gather [hbm4b:s31+s3], $0x400, $0x38;
	[tilespmem:$0x1A600] =	vst v63  }
0x1d: {  	_ =	swait.ge [sflag:s12], $0x400  }
0x1e: {  	[sflag:s12] =	ssyncset.done $0x0  }
0x1f: {  	[sflag:s12] =	ssyncadd.s32 $0xFFFFFC00  }
0x20: {  	[tilespmem:s11], [sflag:$0x1] =	stream.indirect.gather [hbm4b:s4+s13], $0x40, s3, s13, $0xb8;
	[tilespmem:$0x1A600] =	vst v63  }
0x21: {  	_ =	swait.ge [sflag:s14], $0x10000  }
0x22: {  	[sflag:s14] =	ssyncset.done $0x0  }
0x23: {  	[sflag:s14] =	ssyncadd.s32 $0xFFFF0000  }
0x24: {  	[spmem:s2] =	stream.indirect.scatter.add.f32 [tilespmem:s11], [sflag:$0x2], $0x40, s13, s13, $0xb8;
	[tilespmem:$0x1A600] =	vst v63  }
0x25: {  	_ =	swait.ge [sflag:s12], $0x10000  }
0x26: {  	s17 =	simm.s32 $0x100;
	s16 =	simm.s32 $0x80;
	[sflag:s12] =	ssyncset.done $0x0  }
.LBB2_2:
0x27: {  	s18 =	sadd.s32 s16, s10  }
0x28: {  	[sflag:s12] =	ssyncadd.s32 $0xFFFF0000;
	s19 =	smov.u32 s17;
	s20 =	sadd.s32 $0x80, s17  }
0x29: {  	[tilespmem:s3], [sflag:$0x2] =	stream.linear.gather [hbm4b:s18+s3], $0x400, $0x38;
	[tilespmem:$0x1A600] =	vst v63  }
0x2a: {  	p0 =	sne.s32 s17, $0x480;
	_ =	swait.ge [sflag:s12], $0x400  }
0x2b: {  	[sflag:s12] =	ssyncset.done $0x0  }
0x2c: {  	s17 =	sadd.s32 s16, s9;
	s16 =	smov.u32 s19;
	[sflag:s12] =	ssyncadd.s32 $0xFFFFFC00  }
0x2d: {  	[tilespmem:s13], [sflag:$0x2] =	stream.linear.gather [hbm4b:s17+s3], $0x400, $0x38;
	[tilespmem:$0x1A600] =	vst v63  }
0x2e: {  	_ =	swait.ge [sflag:s12], $0x400  }
0x2f: {  	[sflag:s12] =	ssyncset.done $0x0  }
0x30: {  	[sflag:s12] =	ssyncadd.s32 $0xFFFFFC00  }
0x31: {  	[tilespmem:s11], [sflag:$0x1] =	stream.indirect.gather [hbm4b:s4+s13], $0x40, s3, s13, $0xb8;
	[tilespmem:$0x1A600] =	vst v63  }
0x32: {  	_ =	swait.ge [sflag:s14], $0x10000  }
.Ltmp0:
0x33: {  	[sflag:s14] =	ssyncset.done $0x0;
	(pc) =	sbr.rel @p0 .LBB2_2-.Ltmp0, $4  }
0x34: {  	[sflag:s14] =	ssyncadd.s32 $0xFFFF0000  }
0x35: {  	[spmem:s2] =	stream.indirect.scatter.add.f32 [tilespmem:s11], [sflag:$0x2], $0x40, s13, s13, $0xb8;
	[tilespmem:$0x1A600] =	vst v63  }
0x36: {  	_ =	swait.ge [sflag:s12], $0x10000  }
0x37: {  	s17 =	smov.u32 s20;
	[sflag:s12] =	ssyncset.done $0x0  }
0x38: {  	s17 =	sadd.s32 s16, s10;
	[sflag:s12] =	ssyncadd.s32 $0xFFFF0000  }
0x39: {  	[tilespmem:s3], [sflag:$0x2] =	stream.linear.gather [hbm4b:s17+s3], $0x400, $0x38;
	[tilespmem:$0x1A600] =	vst v63  }
0x3a: {  	_ =	swait.ge [sflag:s12], $0x400  }
0x3b: {  	[sflag:s12] =	ssyncset.done $0x0  }
0x3c: {  	s31 =	sadd.s32 s16, s9;
	[sflag:s12] =	ssyncadd.s32 $0xFFFFFC00  }
0x3d: {  	[tilespmem:s13], [sflag:$0x2] =	stream.linear.gather [hbm4b:s31+s3], $0x400, $0x38;
	[tilespmem:$0x1A600] =	vst v63  }
0x3e: {  	_ =	swait.ge [sflag:s12], $0x400  }
0x3f: {  	[sflag:s12] =	ssyncset.done $0x0  }
0x40: {  	[sflag:s12] =	ssyncadd.s32 $0xFFFFFC00  }
0x41: {  	[tilespmem:s11], [sflag:$0x1] =	stream.indirect.gather [hbm4b:s4+s13], $0x40, s3, s13, $0xb8;
	[tilespmem:$0x1A600] =	vst v63  }
0x42: {  	_ =	swait.ge [sflag:s14], $0x10000  }
0x43: {  	[sflag:s14] =	ssyncset.done $0x0  }
0x44: {  	[sflag:s14] =	ssyncadd.s32 $0xFFFF0000  }
0x45: {  	[spmem:s2] =	stream.indirect.scatter.add.f32 [tilespmem:s11], [sflag:$0x2], $0x40, s13, s13, $0xb8;
	[tilespmem:$0x1A600] =	vst v63  }
0x46: {  	_ =	swait.ge [sflag:s12], $0x10000  }
0x47: {  	[sflag:s12] =	ssyncset.done $0x0  }
0x48: {  	[sflag:s12] =	ssyncadd.s32 $0xFFFF0000  }
0x49: {  	[bflag:$0x0] =	sbarrier.arrive $0xFFFF  }
0x4a: {  	[tilespmem:s11], [sflag:$0x2] =	stream.linear.gather [spmem:s6], $0x9E00, $0x38;
	[tilespmem:$0x1A600] =	vst v63  }
0x4b: {  	s15 =	sadd.s32 $0x1, s15;
	_ =	swait.ge [sflag:s12], $0x9E00  }
0x4c: {  	p0 =	sne.s32 s15, s8;
	[sflag:s12] =	ssyncset.done $0x0  }
.Ltmp1:
0x4d: {  	[sflag:s12] =	ssyncadd.s32 $0xFFFF6200;
	(pc) =	sbr.rel @p0 .LBB2_1-.Ltmp1, $4  }
0x4e: {  	[hbm4b:s7+s3] =	stream.linear.scatter [tilespmem:s11], [sflag:$0x2], $0x9E00, $0x38;
	[tilespmem:$0x1A600] =	vst v63  }
0x4f: {  	_ =	swait.ge [sflag:s12], $0x9E00  }
0x50: {  	[sflag:s12] =	ssyncset.done $0x0  }
0x51: {  	[sflag:s12] =	ssyncadd.s32 $0xFFFF6200  }
0x52: {  	_ =	sfence.sel $0x180000  }
0x53: {  	[bflag:$0x0] =	sbarrier.arrive $0xFFFF  }
0x54: {  	p0 =	sne.s32 s1, $0x0;
	_ =	strace $0x9000004A  }
0x55: {  	s0 =	sadd.s32 @!p0 $0x100000, s0;
	[bflag:$0x2] =	sbarrier.arrive $0xFFFF  }
0x56: {  	[sflag:s0] =	ssyncadd.tile.s32 @!p0 $0x1;
	_ =	shalt  }
.Lfunc_end2:
_tile_overlayer_lowered:
.L_overlay_start_2:
0x57: {  	(tag) =	ssettag $0x2  }
0x58: {  	s0 =	rddreg [dreg:$0x0];
	s2 =	stileid.u32  }
0x59: {  	s1 =	rddreg [dreg:$0x1];
	p0 =	sne.s32 s2, $0x0  }
0x5a: {  	s3 =	rddreg [dreg:$0x2];
	[bflag:$0x3] =	sbarrier.arrive $0xFFFF;
	s2 =	simm.s32 @!p0 $0x1C02  }
0x5b: {  	[timem:s3], [sflag:s2] =	dma.local @!p0 [hbm:s0], s1  }
0x5c: {  	s0 =	simm.s32 @!p0 $0x2  }
0x5d: {  	_ =	swait.ge @!p0 [sflag:s0], s1  }
0x5e: {  	s1 =	ssub.s32 @!p0 $0x0, s1;
	[sflag:s0] =	ssyncset.done @!p0 $0x0  }
0x5f: {  	[sflag:s0] =	ssyncadd.s32 @!p0 s1  }
0x60: {  	[bflag:$0x3] =	sbarrier.arrive $0xFFFF  }
0x61: {  	_ =	shalt  }

// kernel: kernel.15.cloned.1.call-start
scs
__scs_entry_jumppad:
0x0: {  	(pc) =	sbr.rel $0x88, $3  }
0x1: {  	(tag) =	ssettag $0x0;
	lr =	simm.s32 $0x1  }
0x2: {  	[smem:$0x3F8C] =	sst lr;
	_ =	strace $0xD0000000  }
0x3: {  	_ = 	snop  }
0x4: {  	_ = 	snop  }
0x5: {  	_ = 	snop  }
0x6: {  	_ = 	snop  }
0x7: {  	_ = 	snop  }
__scs_overlays_trampoline_lowered:
0x8: {  	[smem:$0x3F9B] =	sst s0  }
0x9: {  	[smem:$0x3F9C] =	sst s1  }
0xa: {  	[smem:$0x3F9D] =	sst s2  }
0xb: {  	[smem:$0x3F9E] =	sst s3  }
0xc: {  	[smem:$0x3F9F] =	sst s4  }
0xd: {  	[smem:$0x3FA0] =	sst s5  }
0xe: {  	[smem:$0x3FA1] =	sst s6  }
0xf: {  	[smem:$0x3FA2] =	sst s7  }
0x10: {  	[smem:$0x3FA3] =	sst s8  }
0x11: {  	[smem:$0x3FA4] =	sst s9;
	s0 =	simm.s32 @!p0 $0x0  }
0x12: {  	s1 =	sld [smem:$0x3F8A];
	s0 =	simm.s32 @p0 $0x1  }
0x13: {  	[smem:$0x3FA5] =	sst s0;
	s0 =	simm.s32 @!p1 $0x0  }
0x14: {  	s2 =	sld [smem:$0x3F89];
	s0 =	simm.s32 @p1 $0x1  }
0x15: {  	[smem:$0x3FA6] =	sst s0;
	s0 =	simm.s32 @!p2 $0x0  }
0x16: {  	s3 =	sld [smem:$0x3FDB];
	s0 =	simm.s32 @p2 $0x1  }
0x17: {  	s4 =	simm.s32 $0x1BF5;
	[smem:$0x3FA8] =	sst s0  }
0x18: {  	s0 =	sld [smem:$0x3F8B];
	_ =	swait.ge [sflag:s4], $0x0  }
0x19: {  	s7 =	sld [smem:$0x3F8C]  }
0x1a: {  	s8 =	sadd.s32 $0xFFFFE003, lr  }
0x1b: {  	s9 =	sadd.s32 $0xFFFFFEF7, lr;
	s5 =	simm.s32 $0xFFFFFFFF;
	p2 =	slt.u32 s8, $0xFFFFF086  }
0x1c: {  	p1 =	slt.u32 s9, $0xF7A;
	s5 =	simm.s32 @!p2 $0x0  }
0x1d: {  	s5 =	simm.s32 @p1 $0x1;
	p0 =	seq.s32 s7, s2  }
0x1e: {  	s7 =	smul.u32 @!p0 $0xF7A, s2;
	p2 =	seq.s32 @!p0 s5, $0x0  }
0x1f: {  	s9 =	smul.u32 $0xF7A, s1;
	s8 =	simm.s32 @!p0 $0x1BF5;
	p2 =	por !p2, p0  }
0x20: {  	[sflag:s8] =	ssyncset.s32 @!p0 $0xFFFFF086;
	s6 =	sadd.s32 @!p0 s3, s7;
	s7 =	simm.s32 @!p0 $0x108  }
0x21: {  	s3 =	sadd.s32 s3, s9;
	s6 =	sadd.s32 @!p0 $0x88, s6;
	s7 =	simm.s32 @p2 $0x1082  }
0x22: {  	[simem:s7], [sflag:s8] =	dma.local @!p0 [hbm:s6], $0xF7A  }
0x23: {  	s9 =	sor.u32 $0xD0000000, s2;
	s6 =	simm.s32 $0x108;
	_ =	swait.ge @!p0 [sflag:s8], $0x0  }
0x24: {  	s3 =	sadd.s32 $0x88, s3;
	s6 =	simm.s32 @!p1 $0x1082;
	[sflag:s4] =	ssyncset.s32 $0xFFFFF086  }
0x25: {  	[simem:s6], [sflag:s4] =	dma.local [hbm:s3], $0xF7A  }
0x26: {  	[smem:$0x3F8C] =	sst s1;
	(tag) =	ssettag s2;
	_ =	strace s9  }
0x27: {  	s1 =	sld [smem:$0x3F9C]  }
0x28: {  	s2 =	sld [smem:$0x3F9D]  }
0x29: {  	s4 =	sld [smem:$0x3F9F]  }
0x2a: {  	p0 =	seq.s32 s5, $0x0;
	s5 =	sld [smem:$0x3FA0]  }
0x2b: {  	s6 =	sld [smem:$0x3FA1]  }
0x2c: {  	s7 =	sld [smem:$0x3FA2]  }
0x2d: {  	s3 =	simm.s32 $0x108;
	s8 =	sld [smem:$0x3FA3]  }
0x2e: {  	s3 =	simm.s32 @!p0 $0x1082;
	s9 =	sld [smem:$0x3FA4]  }
0x2f: {  	lr =	sadd.s32 s0, s3;
	s0 =	sld [smem:$0x3F9B]  }
0x30: {  	s3 =	sld [smem:$0x3F9E]  }
0x31: {  	[smem:$0x3FA7] =	sst s10  }
0x32: {  	s10 =	sld [smem:$0x3FA5];
	_ =	sdelay $0x3  }
0x33: {  	p0 =	seq.s32 s10, $0x1;
	s10 =	sld [smem:$0x3FA7];
	_ =	sdelay $0x3  }
0x34: {  	[smem:$0x3FA7] =	sst s10  }
0x35: {  	s10 =	sld [smem:$0x3FA6];
	_ =	sdelay $0x3  }
0x36: {  	p1 =	seq.s32 s10, $0x1;
	s10 =	sld [smem:$0x3FA7];
	_ =	sdelay $0x3  }
0x37: {  	[smem:$0x3FA7] =	sst s10  }
0x38: {  	s10 =	sld [smem:$0x3FA8]  }
0x39: {  	_ = 	snop;
	(pc) =	sbr.ind lr, $3  }
0x3a: {  	_ = 	snop  }
0x3b: {  	_ = 	snop  }
0x3c: {  	p2 =	seq.s32 s10, $0x1;
	s10 =	sld [smem:$0x3FA7]  }
0x3d: {  	_ =	shalt  }
0x3e: {  	_ =	shalt  }
0x3f: {  	_ =	shalt  }
0x40: {  	_ =	shalt  }
0x41: {  	_ =	shalt  }
0x42: {  	_ =	shalt  }
0x43: {  	_ =	shalt  }
0x44: {  	_ =	shalt  }
0x45: {  	_ =	shalt  }
0x46: {  	_ =	shalt  }
0x47: {  	_ =	shalt  }
0x48: {  	_ =	shalt  }
0x49: {  	_ =	shalt  }
0x4a: {  	_ =	shalt  }
0x4b: {  	_ =	shalt  }
0x4c: {  	_ =	shalt  }
0x4d: {  	_ =	shalt  }
0x4e: {  	_ =	shalt  }
0x4f: {  	_ =	shalt  }
0x50: {  	_ =	shalt  }
0x51: {  	_ =	shalt  }
0x52: {  	_ =	shalt  }
0x53: {  	_ =	shalt  }
0x54: {  	_ =	shalt  }
0x55: {  	_ =	shalt  }
0x56: {  	_ =	shalt  }
0x57: {  	_ =	shalt  }
0x58: {  	_ =	shalt  }
0x59: {  	_ =	shalt  }
0x5a: {  	_ =	shalt  }
0x5b: {  	_ =	shalt  }
0x5c: {  	_ =	shalt  }
0x5d: {  	_ =	shalt  }
0x5e: {  	_ =	shalt  }
0x5f: {  	_ =	shalt  }
0x60: {  	_ =	shalt  }
0x61: {  	_ =	shalt  }
0x62: {  	_ =	shalt  }
0x63: {  	_ =	shalt  }
0x64: {  	_ =	shalt  }
0x65: {  	_ =	shalt  }
0x66: {  	_ =	shalt  }
0x67: {  	_ =	shalt  }
0x68: {  	_ =	shalt  }
0x69: {  	_ =	shalt  }
0x6a: {  	_ =	shalt  }
0x6b: {  	_ =	shalt  }
0x6c: {  	_ =	shalt  }
0x6d: {  	_ =	shalt  }
0x6e: {  	_ =	shalt  }
0x6f: {  	_ =	shalt  }
0x70: {  	_ =	shalt  }
0x71: {  	_ =	shalt  }
0x72: {  	_ =	shalt  }
0x73: {  	_ =	shalt  }
0x74: {  	_ =	shalt  }
0x75: {  	_ =	shalt  }
0x76: {  	_ =	shalt  }
0x77: {  	_ =	shalt  }
0x78: {  	_ =	shalt  }
0x79: {  	_ =	shalt  }
0x7a: {  	_ =	shalt  }
0x7b: {  	_ =	shalt  }
0x7c: {  	_ =	shalt  }
0x7d: {  	_ =	shalt  }
0x7e: {  	_ =	shalt  }
0x7f: {  	_ =	shalt  }
0x80: {  	_ =	shalt  }
0x81: {  	_ =	shalt  }
0x82: {  	_ =	shalt  }
0x83: {  	_ =	shalt  }
0x84: {  	_ =	shalt  }
0x85: {  	_ =	shalt  }
0x86: {  	_ =	shalt  }
0x87: {  	_ =	shalt  }
.Lfunc_end0:
.L_simem_size_0:
called_computation.2_lowered:
.L_overlay_start_0:
0x88: {  	s2 =	sld [smem:$0x3FD9]  }
0x89: {  	s3 =	sld [smem:$0x3FFE];
	_ =	sdelay $0x1  }
0x8a: {  	s1 =	srdreg.scid  }
0x8b: {  	s0 =	sand.u32 $0x1, s1  }
0x8c: {  	s16 =	sshll.u32 s0, $0xA;
	s2 =	sadd.s32 s3, s2  }
0x8d: {  	s2 =	sadd.s32 s2, s16  }
0x8e: {  	[smem:$0x3FB3] =	sst s2  }
0x8f: {  	_ = 	snop  }
0x90: {  	(tm) =	ssettm $0x1  }
0x91: {  	s17 =	sld [smem:$0x3FFB];
	_ =	sdelay $0x3  }
0x92: {  	_ =	strace s17  }
0x93: {  	s2 =	sld [smem:$0x3FFC];
	_ =	sdelay $0x3  }
0x94: {  	_ =	strace s2  }
0x95: {  	s2 =	sld [smem:$0x3FFD];
	_ =	sdelay $0x3  }
0x96: {  	_ =	strace s2  }
0x97: {  	_ =	strace $0x8FFFFFFF  }
0x98: {  	s18 =	sld [smem:$0x3FDB];
	_ =	sdelay $0x1  }
0x99: {  	s19 =	simm.s32 $_scs_section_size  }
0x9a: {  	s4 =	simm.s32 $_size__tile_overlayer_lowered;
	s5 =	simm.s32 $_tile_overlayer_lowered  }
0x9b: {  	s22 =	simm.s32 $0x1BFF;
	s21 =	sshll.u32 s5, $0x1;
	s2 =	sadd.s32 s19, s18  }
0x9c: {  	s6 =	simm.s32 $0x0;
	s20 =	sshll.u32 s4, $0x1;
	s4 =	sadd.s32 s21, s2  }
0x9d: {  	[timem:s6], [sflag:s22] =	dma.local [hbm:s4], s20  }
0x9e: {  	_ =	swait.ge [sflag:s22], s20  }
0x9f: {  	s3 =	ssub.s32 $0x0, s20;
	[sflag:s22] =	ssyncset.done $0x0  }
0xa0: {  	[sflag:s22] =	ssyncadd.s32 s3;
	_ =	sdelay $0x1  }
0xa1: {  	s23 =	simm.s32 $0x1B8B  }
0xa2: {  	_ =	swait.ge [sflag:s23], $0x1  }
0xa3: {  	[sflag:s23] =	ssyncset.done $0x0  }
0xa4: {  	s25 =	simm.s32 $0x1B8E;
	s24 =	sld [smem:$0x3FFE];
	[sflag:s23] =	ssyncadd.s32 $0xFFFFFFFF  }
0xa5: {  	s26 =	simm.s32 $execute0_lowered;
	[smem:$0x3FD2] =	sst s25  }
0xa6: {  	s4 =	sshll.u32 s26, $0x1;
	_ =	strace $0x8000004C;
	[dreg:$0x1] =	wrdreg $0xFFFFFFFF  }
0xa7: {  	s28 =	simm.s32 $_size_execute0_lowered;
	s2 =	sadd.s32 s2, s4;
	[dreg:$0x0] =	wrdreg $0x0  }
0xa8: {  	s4 =	sshll.u32 s28, $0x1;
	[dreg:$0x2] =	wrdreg s2  }
0xa9: {  	[dreg:$0x3] =	wrdreg s4  }
0xaa: {  	[dreg:$0x4] =	wrdreg $0xC0  }
0xab: {  	_ =	task [dreg:s6], $0x5FFFF  }
0xac: {  	[dreg:$0x1] =	wrdreg $0xFFFFFFFF  }
0xad: {  	[dreg:$0x0] =	wrdreg $0x60  }
0xae: {  	[dreg:$0x2] =	wrdreg s24  }
0xaf: {  	[dreg:$0x3] =	wrdreg $0x108000  }
0xb0: {  	[dreg:$0x4] =	wrdreg $0x9  }
0xb1: {  	_ =	task.clear_ibuf [dreg:s6], $0x5FFFF;
	_ =	strace $0x9000004C  }
0xb2: {  	s29 =	simm.s32 $0x9;
	_ =	strace $0x8000004E  }
0xb3: {  	_ =	swait.ge [sflag:s29], $0x1  }
0xb4: {  	[sflag:s29] =	ssyncadd.s32 $0xFFFFFFFF  }
0xb5: {  	_ =	strace $0x9000004E  }
0xb6: {  	_ =	sfence  }
0xb7: {  	s30 =	sld [smem:$0x0];
	_ =	sdelay $0x2  }
0xb8: {  	s31 =	sshll.u32 s1, $0xD;
	s1 =	sshrl.u32 s1, $0x2  }
0xb9: {  	s3 =	sand.u32 $0x4000, s31;
	s1 =	sadd.s32 s1, s30  }
0xba: {  	s0 =	sor.u32 s3, s0;
	s1 =	sshll.u32 s1, $0x11  }
0xbb: {  	s0 =	sor.u32 s1, s0  }
0xbc: {  	s0 =	sadd.s32 $0x8F2B, s0  }
0xbd: {  	[sflag:s0] =	ssyncadd.remote.s32 $0x1  }
0xbe: {  	_ =	sfence.sel $0xFFFF  }
0xbf: {  	[dreg:$0x0] =	wrdreg $0xFFFFFFFF;
	(pc) =	sbr.abs _section_cstart, $3  }
0xc0: {  	[dreg:$0x1] =	wrdreg $0xFFFFFFFF  }
0xc1: {  	_ =	task.clear_ibuf [dreg:s6], $0x2FFFF;
	_ =	strace $0x9FFFFFFF  }
0xc2: {  	(tm) =	ssettm $0x7FFFFFFF  }
0xc3: {  	_ =	shalt  }
tec
execute0_lowered:
.L_overlay_start_1:
0x0: {  	(tag) =	ssettag $0x1  }
0x1: {  	s5 =	rddreg [dreg:$0x0]  }
0x2: {  	s2 =	rddreg [dreg:$0x1]  }
0x3: {  	s0 =	rddreg [dreg:$0x2]  }
0x4: {  	s1 =	stileid.u32;
	s4 =	srdreg.scid  }
0x5: {  	s3 =	simm.s32 $0x0;
	s13 =	simm.s32 $0x400;
	s6 =	smul.u32 $0xA00, s1  }
0x6: {  	s14 =	simm.s32 $0x1;
	s15 =	simm.s32 $0x0;
	s7 =	smul.u32 $0x9E00, s1  }
0x7: {  	s8 =	sand.u32 $0x1, s4;
	[smem:$0x7FF] =	sst s3;
	s4 =	sadd.s32 $0x17000, s5  }
0x8: {  	s9 =	smul.u32 $0x9E000, s8;
	_ =	strace $0x8000004D;
	s11 =	ssub.s32 $0x2, s8  }
0x9: {  	s8 =	smul.u32 $0x500, s8;
	s10 =	sadd.s32 s6, s5;
	s31 =	sshrl.u32 s7, $0x3  }
0xa: {  	s12 =	sshrl.u32 s11, $0x1;
	s9 =	sadd.s32 s7, s9;
	s6 =	sadd.s32 s31, s5  }
0xb: {  	s11 =	ssub.s32 s11, s12;
	s10 =	sadd.s32 s8, s10;
	s12 =	simm.s32 $0x2  }
0xc: {  	s9 =	sshrl.u32 s9, $0x3;
	s8 =	smax.u32 s11, $0x1;
	s11 =	simm.s32 $0x800  }
0xd: {  	s9 =	sadd.s32 s9, s5;
	s5 =	sadd.s32 $0x2AC00, s6;
	s6 =	sadd.s32 s7, s2  }
0xe: {  	s7 =	sadd.s32 $0x3E800, s9;
	s9 =	sadd.s32 $0x3000, s10;
	s10 =	sadd.s32 $0xD000, s10  }
.LBB2_1:
0xf: {  	[tilespmem:s11], [sflag:$0x2] =	stream.linear.gather [hbm4b:s5+s3], $0x9E00, $0x38;
	[tilespmem:$0x1A600] =	vst v63  }
0x10: {  	_ =	swait.ge [sflag:s12], $0x9E00  }
0x11: {  	[sflag:s12] =	ssyncset.done $0x0  }
0x12: {  	[sflag:s12] =	ssyncadd.s32 $0xFFFF6200  }
0x13: {  	[spmem:s6] =	stream.linear.scatter [tilespmem:s11], [sflag:$0x2], $0x9E00, $0x38;
	[tilespmem:$0x1A600] =	vst v63  }
0x14: {  	_ =	swait.ge [sflag:s12], $0x9E00  }
0x15: {  	[sflag:s12] =	ssyncset.done $0x0  }
0x16: {  	[sflag:s12] =	ssyncadd.s32 $0xFFFF6200  }
0x17: {  	s16 =	sadd.s32 $0x0, s10;
	[bflag:$0x0] =	sbarrier.arrive $0xFFFF  }
0x18: {  	[tilespmem:s3], [sflag:$0x2] =	stream.linear.gather [hbm4b:s16+s3], $0x400, $0x38;
	[tilespmem:$0x1A600] =	vst v63  }
0x19: {  	_ =	swait.ge [sflag:s12], $0x400  }
0x1a: {  	[sflag:s12] =	ssyncset.done $0x0  }
0x1b: {  	s31 =	sadd.s32 $0x0, s9;
	[sflag:s12] =	ssyncadd.s32 $0xFFFFFC00  }
0x1c: {  	[tilespmem:s13], [sflag:$0x2] =	stream.linear.gather [hbm4b:s31+s3], $0x400, $0x38;
	[tilespmem:$0x1A600] =	vst v63  }
0x1d: {  	_ =	swait.ge [sflag:s12], $0x400  }
0x1e: {  	[sflag:s12] =	ssyncset.done $0x0  }
0x1f: {  	[sflag:s12] =	ssyncadd.s32 $0xFFFFFC00  }
0x20: {  	[tilespmem:s11], [sflag:$0x1] =	stream.indirect.gather [hbm4b:s4+s13], $0x40, s3, s13, $0xb8;
	[tilespmem:$0x1A600] =	vst v63  }
0x21: {  	_ =	swait.ge [sflag:s14], $0x10000  }
0x22: {  	[sflag:s14] =	ssyncset.done $0x0  }
0x23: {  	[sflag:s14] =	ssyncadd.s32 $0xFFFF0000  }
0x24: {  	[spmem:s2] =	stream.indirect.scatter.add.f32 [tilespmem:s11], [sflag:$0x2], $0x40, s13, s13, $0xb8;
	[tilespmem:$0x1A600] =	vst v63  }
0x25: {  	_ =	swait.ge [sflag:s12], $0x10000  }
0x26: {  	s17 =	simm.s32 $0x100;
	s16 =	simm.s32 $0x80;
	[sflag:s12] =	ssyncset.done $0x0  }
.LBB2_2:
0x27: {  	s18 =	sadd.s32 s16, s10  }
0x28: {  	[sflag:s12] =	ssyncadd.s32 $0xFFFF0000;
	s19 =	smov.u32 s17;
	s20 =	sadd.s32 $0x80, s17  }
0x29: {  	[tilespmem:s3], [sflag:$0x2] =	stream.linear.gather [hbm4b:s18+s3], $0x400, $0x38;
	[tilespmem:$0x1A600] =	vst v63  }
0x2a: {  	p0 =	sne.s32 s17, $0x480;
	_ =	swait.ge [sflag:s12], $0x400  }
0x2b: {  	[sflag:s12] =	ssyncset.done $0x0  }
0x2c: {  	s17 =	sadd.s32 s16, s9;
	s16 =	smov.u32 s19;
	[sflag:s12] =	ssyncadd.s32 $0xFFFFFC00  }
0x2d: {  	[tilespmem:s13], [sflag:$0x2] =	stream.linear.gather [hbm4b:s17+s3], $0x400, $0x38;
	[tilespmem:$0x1A600] =	vst v63  }
0x2e: {  	_ =	swait.ge [sflag:s12], $0x400  }
0x2f: {  	[sflag:s12] =	ssyncset.done $0x0  }
0x30: {  	[sflag:s12] =	ssyncadd.s32 $0xFFFFFC00  }
0x31: {  	[tilespmem:s11], [sflag:$0x1] =	stream.indirect.gather [hbm4b:s4+s13], $0x40, s3, s13, $0xb8;
	[tilespmem:$0x1A600] =	vst v63  }
0x32: {  	_ =	swait.ge [sflag:s14], $0x10000  }
.Ltmp0:
0x33: {  	[sflag:s14] =	ssyncset.done $0x0;
	(pc) =	sbr.rel @p0 .LBB2_2-.Ltmp0, $4  }
0x34: {  	[sflag:s14] =	ssyncadd.s32 $0xFFFF0000  }
0x35: {  	[spmem:s2] =	stream.indirect.scatter.add.f32 [tilespmem:s11], [sflag:$0x2], $0x40, s13, s13, $0xb8;
	[tilespmem:$0x1A600] =	vst v63  }
0x36: {  	_ =	swait.ge [sflag:s12], $0x10000  }
0x37: {  	s17 =	smov.u32 s20;
	[sflag:s12] =	ssyncset.done $0x0  }
0x38: {  	s17 =	sadd.s32 s16, s10;
	[sflag:s12] =	ssyncadd.s32 $0xFFFF0000  }
0x39: {  	[tilespmem:s3], [sflag:$0x2] =	stream.linear.gather [hbm4b:s17+s3], $0x400, $0x38;
	[tilespmem:$0x1A600] =	vst v63  }
0x3a: {  	_ =	swait.ge [sflag:s12], $0x400  }
0x3b: {  	[sflag:s12] =	ssyncset.done $0x0  }
0x3c: {  	s31 =	sadd.s32 s16, s9;
	[sflag:s12] =	ssyncadd.s32 $0xFFFFFC00  }
0x3d: {  	[tilespmem:s13], [sflag:$0x2] =	stream.linear.gather [hbm4b:s31+s3], $0x400, $0x38;
	[tilespmem:$0x1A600] =	vst v63  }
0x3e: {  	_ =	swait.ge [sflag:s12], $0x400  }
0x3f: {  	[sflag:s12] =	ssyncset.done $0x0  }
0x40: {  	[sflag:s12] =	ssyncadd.s32 $0xFFFFFC00  }
0x41: {  	[tilespmem:s11], [sflag:$0x1] =	stream.indirect.gather [hbm4b:s4+s13], $0x40, s3, s13, $0xb8;
	[tilespmem:$0x1A600] =	vst v63  }
0x42: {  	_ =	swait.ge [sflag:s14], $0x10000  }
0x43: {  	[sflag:s14] =	ssyncset.done $0x0  }
0x44: {  	[sflag:s14] =	ssyncadd.s32 $0xFFFF0000  }
0x45: {  	[spmem:s2] =	stream.indirect.scatter.add.f32 [tilespmem:s11], [sflag:$0x2], $0x40, s13, s13, $0xb8;
	[tilespmem:$0x1A600] =	vst v63  }
0x46: {  	_ =	swait.ge [sflag:s12], $0x10000  }
0x47: {  	[sflag:s12] =	ssyncset.done $0x0  }
0x48: {  	[sflag:s12] =	ssyncadd.s32 $0xFFFF0000  }
0x49: {  	[bflag:$0x0] =	sbarrier.arrive $0xFFFF  }
0x4a: {  	[tilespmem:s11], [sflag:$0x2] =	stream.linear.gather [spmem:s6], $0x9E00, $0x38;
	[tilespmem:$0x1A600] =	vst v63  }
0x4b: {  	s15 =	sadd.s32 $0x1, s15;
	_ =	swait.ge [sflag:s12], $0x9E00  }
0x4c: {  	p0 =	sne.s32 s15, s8;
	[sflag:s12] =	ssyncset.done $0x0  }
.Ltmp1:
0x4d: {  	[sflag:s12] =	ssyncadd.s32 $0xFFFF6200;
	(pc) =	sbr.rel @p0 .LBB2_1-.Ltmp1, $4  }
0x4e: {  	[hbm4b:s7+s3] =	stream.linear.scatter [tilespmem:s11], [sflag:$0x2], $0x9E00, $0x38;
	[tilespmem:$0x1A600] =	vst v63  }
0x4f: {  	_ =	swait.ge [sflag:s12], $0x9E00  }
0x50: {  	[sflag:s12] =	ssyncset.done $0x0  }
0x51: {  	[sflag:s12] =	ssyncadd.s32 $0xFFFF6200  }
0x52: {  	_ =	sfence.sel $0x180000  }
0x53: {  	[bflag:$0x0] =	sbarrier.arrive $0xFFFF  }
0x54: {  	p0 =	sne.s32 s1, $0x0;
	_ =	strace $0x9000004D  }
0x55: {  	s0 =	sadd.s32 @!p0 $0x100000, s0;
	[bflag:$0x2] =	sbarrier.arrive $0xFFFF  }
0x56: {  	[sflag:s0] =	ssyncadd.tile.s32 @!p0 $0x1;
	_ =	shalt  }
.Lfunc_end2:
_tile_overlayer_lowered:
.L_overlay_start_2:
0x57: {  	(tag) =	ssettag $0x2  }
0x58: {  	s0 =	rddreg [dreg:$0x0];
	s2 =	stileid.u32  }
0x59: {  	s1 =	rddreg [dreg:$0x1];
	p0 =	sne.s32 s2, $0x0  }
0x5a: {  	s3 =	rddreg [dreg:$0x2];
	[bflag:$0x3] =	sbarrier.arrive $0xFFFF;
	s2 =	simm.s32 @!p0 $0x1C02  }
0x5b: {  	[timem:s3], [sflag:s2] =	dma.local @!p0 [hbm:s0], s1  }
0x5c: {  	s0 =	simm.s32 @!p0 $0x2  }
0x5d: {  	_ =	swait.ge @!p0 [sflag:s0], s1  }
0x5e: {  	s1 =	ssub.s32 @!p0 $0x0, s1;
	[sflag:s0] =	ssyncset.done @!p0 $0x0  }
0x5f: {  	[sflag:s0] =	ssyncadd.s32 @!p0 s1  }
0x60: {  	[bflag:$0x3] =	sbarrier.arrive $0xFFFF  }
0x61: {  	_ =	shalt  }

// kernel: kernel.9.cloned.1.call-start
scs
__scs_entry_jumppad:
0x0: {  	(pc) =	sbr.rel $0x88, $3  }
0x1: {  	(tag) =	ssettag $0x0;
	lr =	simm.s32 $0x1  }
0x2: {  	[smem:$0x3F8C] =	sst lr;
	_ =	strace $0xD0000000  }
0x3: {  	_ = 	snop  }
0x4: {  	_ = 	snop  }
0x5: {  	_ = 	snop  }
0x6: {  	_ = 	snop  }
0x7: {  	_ = 	snop  }
__scs_overlays_trampoline_lowered:
0x8: {  	[smem:$0x3F9B] =	sst s0  }
0x9: {  	[smem:$0x3F9C] =	sst s1  }
0xa: {  	[smem:$0x3F9D] =	sst s2  }
0xb: {  	[smem:$0x3F9E] =	sst s3  }
0xc: {  	[smem:$0x3F9F] =	sst s4  }
0xd: {  	[smem:$0x3FA0] =	sst s5  }
0xe: {  	[smem:$0x3FA1] =	sst s6  }
0xf: {  	[smem:$0x3FA2] =	sst s7  }
0x10: {  	[smem:$0x3FA3] =	sst s8  }
0x11: {  	[smem:$0x3FA4] =	sst s9;
	s0 =	simm.s32 @!p0 $0x0  }
0x12: {  	s1 =	sld [smem:$0x3F8A];
	s0 =	simm.s32 @p0 $0x1  }
0x13: {  	[smem:$0x3FA5] =	sst s0;
	s0 =	simm.s32 @!p1 $0x0  }
0x14: {  	s2 =	sld [smem:$0x3F89];
	s0 =	simm.s32 @p1 $0x1  }
0x15: {  	[smem:$0x3FA6] =	sst s0;
	s0 =	simm.s32 @!p2 $0x0  }
0x16: {  	s3 =	sld [smem:$0x3FDB];
	s0 =	simm.s32 @p2 $0x1  }
0x17: {  	s4 =	simm.s32 $0x1BF5;
	[smem:$0x3FA8] =	sst s0  }
0x18: {  	s0 =	sld [smem:$0x3F8B];
	_ =	swait.ge [sflag:s4], $0x0  }
0x19: {  	s7 =	sld [smem:$0x3F8C]  }
0x1a: {  	s8 =	sadd.s32 $0xFFFFE003, lr  }
0x1b: {  	s9 =	sadd.s32 $0xFFFFFEF7, lr;
	s5 =	simm.s32 $0xFFFFFFFF;
	p2 =	slt.u32 s8, $0xFFFFF086  }
0x1c: {  	p1 =	slt.u32 s9, $0xF7A;
	s5 =	simm.s32 @!p2 $0x0  }
0x1d: {  	s5 =	simm.s32 @p1 $0x1;
	p0 =	seq.s32 s7, s2  }
0x1e: {  	s7 =	smul.u32 @!p0 $0xF7A, s2;
	p2 =	seq.s32 @!p0 s5, $0x0  }
0x1f: {  	s9 =	smul.u32 $0xF7A, s1;
	s8 =	simm.s32 @!p0 $0x1BF5;
	p2 =	por !p2, p0  }
0x20: {  	[sflag:s8] =	ssyncset.s32 @!p0 $0xFFFFF086;
	s6 =	sadd.s32 @!p0 s3, s7;
	s7 =	simm.s32 @!p0 $0x108  }
0x21: {  	s3 =	sadd.s32 s3, s9;
	s6 =	sadd.s32 @!p0 $0x88, s6;
	s7 =	simm.s32 @p2 $0x1082  }
0x22: {  	[simem:s7], [sflag:s8] =	dma.local @!p0 [hbm:s6], $0xF7A  }
0x23: {  	s9 =	sor.u32 $0xD0000000, s2;
	s6 =	simm.s32 $0x108;
	_ =	swait.ge @!p0 [sflag:s8], $0x0  }
0x24: {  	s3 =	sadd.s32 $0x88, s3;
	s6 =	simm.s32 @!p1 $0x1082;
	[sflag:s4] =	ssyncset.s32 $0xFFFFF086  }
0x25: {  	[simem:s6], [sflag:s4] =	dma.local [hbm:s3], $0xF7A  }
0x26: {  	[smem:$0x3F8C] =	sst s1;
	(tag) =	ssettag s2;
	_ =	strace s9  }
0x27: {  	s1 =	sld [smem:$0x3F9C]  }
0x28: {  	s2 =	sld [smem:$0x3F9D]  }
0x29: {  	s4 =	sld [smem:$0x3F9F]  }
0x2a: {  	p0 =	seq.s32 s5, $0x0;
	s5 =	sld [smem:$0x3FA0]  }
0x2b: {  	s6 =	sld [smem:$0x3FA1]  }
0x2c: {  	s7 =	sld [smem:$0x3FA2]  }
0x2d: {  	s3 =	simm.s32 $0x108;
	s8 =	sld [smem:$0x3FA3]  }
0x2e: {  	s3 =	simm.s32 @!p0 $0x1082;
	s9 =	sld [smem:$0x3FA4]  }
0x2f: {  	lr =	sadd.s32 s0, s3;
	s0 =	sld [smem:$0x3F9B]  }
0x30: {  	s3 =	sld [smem:$0x3F9E]  }
0x31: {  	[smem:$0x3FA7] =	sst s10  }
0x32: {  	s10 =	sld [smem:$0x3FA5];
	_ =	sdelay $0x3  }
0x33: {  	p0 =	seq.s32 s10, $0x1;
	s10 =	sld [smem:$0x3FA7];
	_ =	sdelay $0x3  }
0x34: {  	[smem:$0x3FA7] =	sst s10  }
0x35: {  	s10 =	sld [smem:$0x3FA6];
	_ =	sdelay $0x3  }
0x36: {  	p1 =	seq.s32 s10, $0x1;
	s10 =	sld [smem:$0x3FA7];
	_ =	sdelay $0x3  }
0x37: {  	[smem:$0x3FA7] =	sst s10  }
0x38: {  	s10 =	sld [smem:$0x3FA8]  }
0x39: {  	_ = 	snop;
	(pc) =	sbr.ind lr, $3  }
0x3a: {  	_ = 	snop  }
0x3b: {  	_ = 	snop  }
0x3c: {  	p2 =	seq.s32 s10, $0x1;
	s10 =	sld [smem:$0x3FA7]  }
0x3d: {  	_ =	shalt  }
0x3e: {  	_ =	shalt  }
0x3f: {  	_ =	shalt  }
0x40: {  	_ =	shalt  }
0x41: {  	_ =	shalt  }
0x42: {  	_ =	shalt  }
0x43: {  	_ =	shalt  }
0x44: {  	_ =	shalt  }
0x45: {  	_ =	shalt  }
0x46: {  	_ =	shalt  }
0x47: {  	_ =	shalt  }
0x48: {  	_ =	shalt  }
0x49: {  	_ =	shalt  }
0x4a: {  	_ =	shalt  }
0x4b: {  	_ =	shalt  }
0x4c: {  	_ =	shalt  }
0x4d: {  	_ =	shalt  }
0x4e: {  	_ =	shalt  }
0x4f: {  	_ =	shalt  }
0x50: {  	_ =	shalt  }
0x51: {  	_ =	shalt  }
0x52: {  	_ =	shalt  }
0x53: {  	_ =	shalt  }
0x54: {  	_ =	shalt  }
0x55: {  	_ =	shalt  }
0x56: {  	_ =	shalt  }
0x57: {  	_ =	shalt  }
0x58: {  	_ =	shalt  }
0x59: {  	_ =	shalt  }
0x5a: {  	_ =	shalt  }
0x5b: {  	_ =	shalt  }
0x5c: {  	_ =	shalt  }
0x5d: {  	_ =	shalt  }
0x5e: {  	_ =	shalt  }
0x5f: {  	_ =	shalt  }
0x60: {  	_ =	shalt  }
0x61: {  	_ =	shalt  }
0x62: {  	_ =	shalt  }
0x63: {  	_ =	shalt  }
0x64: {  	_ =	shalt  }
0x65: {  	_ =	shalt  }
0x66: {  	_ =	shalt  }
0x67: {  	_ =	shalt  }
0x68: {  	_ =	shalt  }
0x69: {  	_ =	shalt  }
0x6a: {  	_ =	shalt  }
0x6b: {  	_ =	shalt  }
0x6c: {  	_ =	shalt  }
0x6d: {  	_ =	shalt  }
0x6e: {  	_ =	shalt  }
0x6f: {  	_ =	shalt  }
0x70: {  	_ =	shalt  }
0x71: {  	_ =	shalt  }
0x72: {  	_ =	shalt  }
0x73: {  	_ =	shalt  }
0x74: {  	_ =	shalt  }
0x75: {  	_ =	shalt  }
0x76: {  	_ =	shalt  }
0x77: {  	_ =	shalt  }
0x78: {  	_ =	shalt  }
0x79: {  	_ =	shalt  }
0x7a: {  	_ =	shalt  }
0x7b: {  	_ =	shalt  }
0x7c: {  	_ =	shalt  }
0x7d: {  	_ =	shalt  }
0x7e: {  	_ =	shalt  }
0x7f: {  	_ =	shalt  }
0x80: {  	_ =	shalt  }
0x81: {  	_ =	shalt  }
0x82: {  	_ =	shalt  }
0x83: {  	_ =	shalt  }
0x84: {  	_ =	shalt  }
0x85: {  	_ =	shalt  }
0x86: {  	_ =	shalt  }
0x87: {  	_ =	shalt  }
.Lfunc_end0:
.L_simem_size_0:
called_computation_lowered:
.L_overlay_start_0:
0x88: {  	s2 =	sld [smem:$0x3FD9]  }
0x89: {  	s3 =	sld [smem:$0x3FFE];
	_ =	sdelay $0x1  }
0x8a: {  	s1 =	srdreg.scid  }
0x8b: {  	s0 =	sand.u32 $0x1, s1  }
0x8c: {  	s17 =	sshll.u32 s0, $0xA;
	s2 =	sadd.s32 s3, s2  }
0x8d: {  	s2 =	sadd.s32 s2, s17  }
0x8e: {  	[smem:$0x3FB3] =	sst s2  }
0x8f: {  	_ = 	snop  }
0x90: {  	s2 =	sld [smem:$0x3FD0];
	(tm) =	ssettm $0x1  }
0x91: {  	s18 =	sld [smem:$0x3FFB];
	_ =	sdelay $0x3  }
0x92: {  	_ =	strace s18  }
0x93: {  	s3 =	sld [smem:$0x3FFC];
	_ =	sdelay $0x3  }
0x94: {  	_ =	strace s3  }
0x95: {  	s3 =	sld [smem:$0x3FFD];
	_ =	sdelay $0x3  }
0x96: {  	_ =	strace s3  }
0x97: {  	_ =	strace $0x8FFFFFFF  }
0x98: {  	s19 =	sld [smem:$0x3FDB];
	_ =	sdelay $0x1  }
0x99: {  	s4 =	simm.s32 $_scs_section_size  }
0x9a: {  	s5 =	simm.s32 $_size__tile_overlayer_lowered;
	s6 =	simm.s32 $_tile_overlayer_lowered  }
0x9b: {  	s22 =	simm.s32 $0x1BFF;
	s21 =	sshll.u32 s6, $0x1;
	s3 =	sadd.s32 s4, s19  }
0x9c: {  	s7 =	simm.s32 $0x0;
	s20 =	sshll.u32 s5, $0x1;
	s5 =	sadd.s32 s21, s3  }
0x9d: {  	[timem:s7], [sflag:s22] =	dma.local [hbm:s5], s20  }
0x9e: {  	_ =	swait.ge [sflag:s22], s20  }
0x9f: {  	s4 =	ssub.s32 $0x0, s20;
	[sflag:s22] =	ssyncset.done $0x0  }
0xa0: {  	[sflag:s22] =	ssyncadd.s32 s4;
	_ =	sdelay $0x1  }
0xa1: {  	s23 =	simm.s32 $0x1B8B  }
0xa2: {  	_ =	swait.ge [sflag:s23], $0x1  }
0xa3: {  	[sflag:s23] =	ssyncset.done $0x0  }
0xa4: {  	s25 =	simm.s32 $0x1B8E;
	s24 =	sld [smem:$0x3FFE];
	[sflag:s23] =	ssyncadd.s32 $0xFFFFFFFF  }
0xa5: {  	s26 =	simm.s32 $execute0_lowered;
	[smem:$0x3FD2] =	sst s25  }
0xa6: {  	s5 =	sshll.u32 s26, $0x1;
	_ =	strace $0x80000046;
	[dreg:$0x1] =	wrdreg $0xFFFFFFFF  }
0xa7: {  	s28 =	simm.s32 $_size_execute0_lowered;
	s3 =	sadd.s32 s3, s5;
	[dreg:$0x0] =	wrdreg $0x0  }
0xa8: {  	s5 =	sshll.u32 s28, $0x1;
	[dreg:$0x2] =	wrdreg s3  }
0xa9: {  	[dreg:$0x3] =	wrdreg s5  }
0xaa: {  	[dreg:$0x4] =	wrdreg $0xC0  }
0xab: {  	_ =	task [dreg:s7], $0x5FFFF  }
0xac: {  	[dreg:$0x1] =	wrdreg $0xFFFFFFFF  }
0xad: {  	[dreg:$0x0] =	wrdreg $0x60  }
0xae: {  	[dreg:$0x2] =	wrdreg s24  }
0xaf: {  	[dreg:$0x3] =	wrdreg s2  }
0xb0: {  	[dreg:$0x4] =	wrdreg $0x13BC00  }
0xb1: {  	[dreg:$0x5] =	wrdreg $0x1D9C00  }
0xb2: {  	[dreg:$0x6] =	wrdreg $0x9  }
0xb3: {  	_ =	task.clear_ibuf [dreg:s7], $0x7FFFF;
	_ =	strace $0x90000046  }
0xb4: {  	s29 =	simm.s32 $0x9;
	_ =	strace $0x80000048  }
0xb5: {  	_ =	swait.ge [sflag:s29], $0x1  }
0xb6: {  	[sflag:s29] =	ssyncadd.s32 $0xFFFFFFFF  }
0xb7: {  	_ =	strace $0x90000048  }
0xb8: {  	_ =	sfence  }
0xb9: {  	s30 =	sld [smem:$0x0];
	_ =	sdelay $0x2  }
0xba: {  	s31 =	sshll.u32 s1, $0xD;
	s1 =	sshrl.u32 s1, $0x2  }
0xbb: {  	s3 =	sand.u32 $0x4000, s31;
	s1 =	sadd.s32 s1, s30  }
0xbc: {  	s0 =	sor.u32 s3, s0;
	s1 =	sshll.u32 s1, $0x11  }
0xbd: {  	s0 =	sor.u32 s1, s0  }
0xbe: {  	s0 =	sadd.s32 $0x8F2B, s0  }
0xbf: {  	[sflag:s0] =	ssyncadd.remote.s32 $0x1  }
0xc0: {  	_ =	sfence.sel $0xFFFF  }
0xc1: {  	[dreg:$0x0] =	wrdreg $0xFFFFFFFF;
	(pc) =	sbr.abs _section_cstart, $3  }
0xc2: {  	[dreg:$0x1] =	wrdreg $0xFFFFFFFF  }
0xc3: {  	_ =	task.clear_ibuf [dreg:s7], $0x2FFFF;
	_ =	strace $0x9FFFFFFF  }
0xc4: {  	(tm) =	ssettm $0x7FFFFFFF  }
0xc5: {  	_ =	shalt  }
tec
execute0_lowered:
.L_overlay_start_1:
0x0: {  	(tag) =	ssettag $0x1  }
0x1: {  	s7 =	rddreg [dreg:$0x0]  }
0x2: {  	s2 =	rddreg [dreg:$0x1]  }
0x3: {  	s3 =	rddreg [dreg:$0x2]  }
0x4: {  	s4 =	rddreg [dreg:$0x3]  }
0x5: {  	s1 =	stileid.u32;
	s0 =	rddreg [dreg:$0x4];
	s5 =	simm.s32 $0x0  }
0x6: {  	s6 =	srdreg.scid;
	s18 =	simm.s32 $0x12800;
	s8 =	smul.u32 $0xA00, s1  }
0x7: {  	s19 =	simm.s32 $0x10800;
	s20 =	simm.s32 $0x400;
	s9 =	smul.u32 $0x9E00, s1  }
0x8: {  	s21 =	simm.s32 $0x1;
	s10 =	smul.u32 $0x13C0, s1;
	s11 =	sand.u32 $0x1, s6  }
0x9: {  	s22 =	simm.s32 $0x0;
	[smem:$0x7FF] =	sst s5;
	s12 =	smul.u32 $0x9E000, s11  }
0xa: {  	s6 =	sadd.s32 $0x17000, s7;
	_ =	strace $0x80000047;
	s15 =	smul.u32 $0x13C00, s11  }
0xb: {  	s29 =	ssub.s32 $0x2, s11;
	s30 =	smul.u32 $0x500, s11;
	s13 =	sshrl.u32 s9, $0x3  }
0xc: {  	s14 =	sshrl.u32 s10, $0x3;
	s16 =	sadd.s32 s8, s7;
	s17 =	sshrl.u32 s29, $0x1  }
0xd: {  	s8 =	sadd.s32 s9, s3;
	s25 =	sadd.s32 s13, s7;
	s26 =	sadd.s32 s14, s7  }
0xe: {  	s12 =	sadd.s32 s9, s12;
	s28 =	sadd.s32 s10, s15;
	s15 =	ssub.s32 s29, s17  }
0xf: {  	s10 =	sadd.s32 s10, s4;
	s31 =	sadd.s32 s30, s16;
	s16 =	simm.s32 $0x800  }
0x10: {  	s17 =	simm.s32 $0x2;
	s12 =	sshrl.u32 s12, $0x3;
	s14 =	sshrl.u32 s28, $0x3  }
0x11: {  	s9 =	sadd.s32 $0x3E800, s26;
	s13 =	smax.u32 s15, $0x1;
	s15 =	sadd.s32 $0xD000, s31  }
0x12: {  	s12 =	sadd.s32 s12, s7;
	s14 =	sadd.s32 s14, s7;
	s7 =	sadd.s32 $0x2AC00, s25  }
0x13: {  	s11 =	sadd.s32 $0x46000, s12;
	s12 =	sadd.s32 $0x41000, s14;
	s14 =	sadd.s32 $0x3000, s31  }
.LBB2_1:
0x14: {  	[tilespmem:s16], [sflag:$0x2] =	stream.linear.gather [hbm4b:s7+s5], $0x9E00, $0x38;
	[tilespmem:$0x1ED80] =	vst v63  }
0x15: {  	_ =	swait.ge [sflag:s17], $0x9E00  }
0x16: {  	[sflag:s17] =	ssyncset.done $0x0  }
0x17: {  	[sflag:s17] =	ssyncadd.s32 $0xFFFF6200  }
0x18: {  	[spmem:s8] =	stream.linear.scatter [tilespmem:s16], [sflag:$0x2], $0x9E00, $0x38;
	[tilespmem:$0x1ED80] =	vst v63  }
0x19: {  	_ =	swait.ge [sflag:s17], $0x9E00  }
0x1a: {  	[sflag:s17] =	ssyncset.done $0x0  }
0x1b: {  	[sflag:s17] =	ssyncadd.s32 $0xFFFF6200  }
0x1c: {  	[tilespmem:s18], [sflag:$0x2] =	stream.linear.gather [hbm4b:s9+s5], $0x13C0, $0x38;
	[tilespmem:$0x1ED80] =	vst v63  }
0x1d: {  	_ =	swait.ge [sflag:s17], $0x13C0  }
0x1e: {  	[sflag:s17] =	ssyncset.done $0x0  }
0x1f: {  	[sflag:s17] =	ssyncadd.s32 $0xFFFFEC40  }
0x20: {  	[spmem:s10] =	stream.linear.scatter [tilespmem:s18], [sflag:$0x2], $0x13C0, $0x38;
	[tilespmem:$0x1ED80] =	vst v63  }
0x21: {  	_ =	swait.ge [sflag:s17], $0x13C0  }
0x22: {  	[sflag:s17] =	ssyncset.done $0x0  }
0x23: {  	[sflag:s17] =	ssyncadd.s32 $0xFFFFEC40  }
0x24: {  	[tilespmem:s19], [sflag:$0x2] =	stream.linear.gather [hbm4b:s2+s5], $0x2000, $0x38;
	[tilespmem:$0x1ED80] =	vst v63  }
0x25: {  	_ =	swait.ge [sflag:s17], $0x2000  }
0x26: {  	[sflag:s17] =	ssyncset.done $0x0  }
0x27: {  	[sflag:s17] =	ssyncadd.s32 $0xFFFFE000  }
0x28: {  	s23 =	sadd.s32 $0x0, s15;
	[bflag:$0x0] =	sbarrier.arrive $0xFFFF  }
0x29: {  	[tilespmem:s5], [sflag:$0x2] =	stream.linear.gather [hbm4b:s23+s5], $0x400, $0x38;
	[tilespmem:$0x1ED80] =	vst v63  }
0x2a: {  	_ =	swait.ge [sflag:s17], $0x400  }
0x2b: {  	[sflag:s17] =	ssyncset.done $0x0  }
0x2c: {  	s31 =	sadd.s32 $0x0, s14;
	[sflag:s17] =	ssyncadd.s32 $0xFFFFFC00  }
0x2d: {  	[tilespmem:s20], [sflag:$0x2] =	stream.linear.gather [hbm4b:s31+s5], $0x400, $0x38;
	[tilespmem:$0x1ED80] =	vst v63  }
0x2e: {  	_ =	swait.ge [sflag:s17], $0x400  }
0x2f: {  	[sflag:s17] =	ssyncset.done $0x0  }
0x30: {  	[sflag:s17] =	ssyncadd.s32 $0xFFFFFC00  }
0x31: {  	[tilespmem:s16], [sflag:$0x1] =	stream.indirect.gather [hbm4b:s6+s20], $0x40, s5, s20, $0xb8;
	[tilespmem:$0x1ED80] =	vst v63  }
0x32: {  	_ =	swait.ge [sflag:s21], $0x10000  }
0x33: {  	[sflag:s21] =	ssyncset.done $0x0  }
0x34: {  	[sflag:s21] =	ssyncadd.s32 $0xFFFF0000  }
0x35: {  	[spmem:s3] =	stream.indirect.scatter.add.f32 [tilespmem:s16], [sflag:$0x2], $0x40, s20, s20, $0xb8;
	[tilespmem:$0x1ED80] =	vst v63  }
0x36: {  	_ =	swait.ge [sflag:s17], $0x10000  }
0x37: {  	[sflag:s17] =	ssyncset.done $0x0  }
0x38: {  	[sflag:s17] =	ssyncadd.s32 $0xFFFF0000  }
0x39: {  	[spmem:s4] =	stream.indirect.scatter.add.f32 [tilespmem:s19], [sflag:$0x2], $0x8, s20, s20, $0xb8;
	[tilespmem:$0x1ED80] =	vst v63  }
0x3a: {  	_ =	swait.ge [sflag:s17], $0x2000  }
0x3b: {  	s24 =	simm.s32 $0x100;
	s23 =	simm.s32 $0x80;
	[sflag:s17] =	ssyncset.done $0x0  }
.LBB2_2:
0x3c: {  	s25 =	sadd.s32 s23, s15  }
0x3d: {  	[sflag:s17] =	ssyncadd.s32 $0xFFFFE000;
	s26 =	smov.u32 s24;
	s28 =	sadd.s32 $0x80, s24  }
0x3e: {  	[tilespmem:s5], [sflag:$0x2] =	stream.linear.gather [hbm4b:s25+s5], $0x400, $0x38;
	[tilespmem:$0x1ED80] =	vst v63  }
0x3f: {  	p0 =	sne.s32 s24, $0x480;
	_ =	swait.ge [sflag:s17], $0x400  }
0x40: {  	[sflag:s17] =	ssyncset.done $0x0  }
0x41: {  	s24 =	sadd.s32 s23, s14;
	s23 =	smov.u32 s26;
	[sflag:s17] =	ssyncadd.s32 $0xFFFFFC00  }
0x42: {  	[tilespmem:s20], [sflag:$0x2] =	stream.linear.gather [hbm4b:s24+s5], $0x400, $0x38;
	[tilespmem:$0x1ED80] =	vst v63  }
0x43: {  	_ =	swait.ge [sflag:s17], $0x400  }
0x44: {  	[sflag:s17] =	ssyncset.done $0x0  }
0x45: {  	[sflag:s17] =	ssyncadd.s32 $0xFFFFFC00  }
0x46: {  	[tilespmem:s16], [sflag:$0x1] =	stream.indirect.gather [hbm4b:s6+s20], $0x40, s5, s20, $0xb8;
	[tilespmem:$0x1ED80] =	vst v63  }
0x47: {  	_ =	swait.ge [sflag:s21], $0x10000  }
0x48: {  	[sflag:s21] =	ssyncset.done $0x0  }
0x49: {  	[sflag:s21] =	ssyncadd.s32 $0xFFFF0000  }
0x4a: {  	[spmem:s3] =	stream.indirect.scatter.add.f32 [tilespmem:s16], [sflag:$0x2], $0x40, s20, s20, $0xb8;
	[tilespmem:$0x1ED80] =	vst v63  }
0x4b: {  	_ =	swait.ge [sflag:s17], $0x10000  }
.Ltmp0:
0x4c: {  	[sflag:s17] =	ssyncset.done $0x0;
	(pc) =	sbr.rel @p0 .LBB2_2-.Ltmp0, $4  }
0x4d: {  	[sflag:s17] =	ssyncadd.s32 $0xFFFF0000  }
0x4e: {  	[spmem:s4] =	stream.indirect.scatter.add.f32 [tilespmem:s19], [sflag:$0x2], $0x8, s20, s20, $0xb8;
	[tilespmem:$0x1ED80] =	vst v63  }
0x4f: {  	_ =	swait.ge [sflag:s17], $0x2000  }
0x50: {  	s24 =	smov.u32 s28;
	[sflag:s17] =	ssyncset.done $0x0  }
0x51: {  	s24 =	sadd.s32 s23, s15;
	[sflag:s17] =	ssyncadd.s32 $0xFFFFE000  }
0x52: {  	[tilespmem:s5], [sflag:$0x2] =	stream.linear.gather [hbm4b:s24+s5], $0x400, $0x38;
	[tilespmem:$0x1ED80] =	vst v63  }
0x53: {  	_ =	swait.ge [sflag:s17], $0x400  }
0x54: {  	[sflag:s17] =	ssyncset.done $0x0  }
0x55: {  	s31 =	sadd.s32 s23, s14;
	[sflag:s17] =	ssyncadd.s32 $0xFFFFFC00  }
0x56: {  	[tilespmem:s20], [sflag:$0x2] =	stream.linear.gather [hbm4b:s31+s5], $0x400, $0x38;
	[tilespmem:$0x1ED80] =	vst v63  }
0x57: {  	_ =	swait.ge [sflag:s17], $0x400  }
0x58: {  	[sflag:s17] =	ssyncset.done $0x0  }
0x59: {  	[sflag:s17] =	ssyncadd.s32 $0xFFFFFC00  }
0x5a: {  	[tilespmem:s16], [sflag:$0x1] =	stream.indirect.gather [hbm4b:s6+s20], $0x40, s5, s20, $0xb8;
	[tilespmem:$0x1ED80] =	vst v63  }
0x5b: {  	_ =	swait.ge [sflag:s21], $0x10000  }
0x5c: {  	[sflag:s21] =	ssyncset.done $0x0  }
0x5d: {  	[sflag:s21] =	ssyncadd.s32 $0xFFFF0000  }
0x5e: {  	[spmem:s3] =	stream.indirect.scatter.add.f32 [tilespmem:s16], [sflag:$0x2], $0x40, s20, s20, $0xb8;
	[tilespmem:$0x1ED80] =	vst v63  }
0x5f: {  	_ =	swait.ge [sflag:s17], $0x10000  }
0x60: {  	[sflag:s17] =	ssyncset.done $0x0  }
0x61: {  	[sflag:s17] =	ssyncadd.s32 $0xFFFF0000  }
0x62: {  	[spmem:s4] =	stream.indirect.scatter.add.f32 [tilespmem:s19], [sflag:$0x2], $0x8, s20, s20, $0xb8;
	[tilespmem:$0x1ED80] =	vst v63  }
0x63: {  	_ =	swait.ge [sflag:s17], $0x2000  }
0x64: {  	[sflag:s17] =	ssyncset.done $0x0  }
0x65: {  	[sflag:s17] =	ssyncadd.s32 $0xFFFFE000  }
0x66: {  	[bflag:$0x0] =	sbarrier.arrive $0xFFFF  }
0x67: {  	[tilespmem:s16], [sflag:$0x2] =	stream.linear.gather [spmem:s8], $0x9E00, $0x38;
	[tilespmem:$0x1ED80] =	vst v63  }
0x68: {  	_ =	swait.ge [sflag:s17], $0x9E00  }
0x69: {  	[sflag:s17] =	ssyncset.done $0x0  }
0x6a: {  	[sflag:s17] =	ssyncadd.s32 $0xFFFF6200  }
0x6b: {  	[hbm4b:s11+s5] =	stream.linear.scatter [tilespmem:s16], [sflag:$0x2], $0x9E00, $0x38;
	[tilespmem:$0x1ED80] =	vst v63  }
0x6c: {  	_ =	swait.ge [sflag:s17], $0x9E00  }
0x6d: {  	[sflag:s17] =	ssyncset.done $0x0  }
0x6e: {  	[sflag:s17] =	ssyncadd.s32 $0xFFFF6200  }
0x6f: {  	[tilespmem:s18], [sflag:$0x2] =	stream.linear.gather [spmem:s10], $0x13C0, $0x38;
	[tilespmem:$0x1ED80] =	vst v63  }
0x70: {  	s22 =	sadd.s32 $0x1, s22;
	_ =	swait.ge [sflag:s17], $0x13C0  }
0x71: {  	p0 =	sne.s32 s22, s13;
	[sflag:s17] =	ssyncset.done $0x0  }
.Ltmp1:
0x72: {  	[sflag:s17] =	ssyncadd.s32 $0xFFFFEC40;
	(pc) =	sbr.rel @p0 .LBB2_1-.Ltmp1, $4  }
0x73: {  	[hbm4b:s12+s5] =	stream.linear.scatter [tilespmem:s18], [sflag:$0x2], $0x13C0, $0x38;
	[tilespmem:$0x1ED80] =	vst v63  }
0x74: {  	_ =	swait.ge [sflag:s17], $0x13C0  }
0x75: {  	[sflag:s17] =	ssyncset.done $0x0  }
0x76: {  	[sflag:s17] =	ssyncadd.s32 $0xFFFFEC40  }
0x77: {  	_ =	sfence.sel $0x180000  }
0x78: {  	[bflag:$0x0] =	sbarrier.arrive $0xFFFF  }
0x79: {  	p0 =	sne.s32 s1, $0x0;
	_ =	strace $0x90000047  }
0x7a: {  	s0 =	sadd.s32 @!p0 $0x100000, s0;
	[bflag:$0x2] =	sbarrier.arrive $0xFFFF  }
0x7b: {  	[sflag:s0] =	ssyncadd.tile.s32 @!p0 $0x1;
	_ =	shalt  }
.Lfunc_end2:
_tile_overlayer_lowered:
.L_overlay_start_2:
0x7c: {  	(tag) =	ssettag $0x2  }
0x7d: {  	s0 =	rddreg [dreg:$0x0];
	s2 =	stileid.u32  }
0x7e: {  	s1 =	rddreg [dreg:$0x1];
	p0 =	sne.s32 s2, $0x0  }
0x7f: {  	s3 =	rddreg [dreg:$0x2];
	[bflag:$0x3] =	sbarrier.arrive $0xFFFF;
	s2 =	simm.s32 @!p0 $0x1C02  }
0x80: {  	[timem:s3], [sflag:s2] =	dma.local @!p0 [hbm:s0], s1  }
0x81: {  	s0 =	simm.s32 @!p0 $0x2  }
0x82: {  	_ =	swait.ge @!p0 [sflag:s0], s1  }
0x83: {  	s1 =	ssub.s32 @!p0 $0x0, s1;
	[sflag:s0] =	ssyncset.done @!p0 $0x0  }
0x84: {  	[sflag:s0] =	ssyncadd.s32 @!p0 s1  }
0x85: {  	[bflag:$0x3] =	sbarrier.arrive $0xFFFF  }
0x86: {  	_ =	shalt  }

</sc_bundles>
